<compile_context>
chip_gen: v7x
topology: tpu7x:2x2x1
jax: 0.10.2.dev20260603
libtpu: 0.0.44.dev20260713+nightly
codegen_flags: <defaults>
</compile_context>

<pallas_src>
import functools

import jax
import jax.numpy as jnp
from jax import lax
from jax.experimental import pallas as pl
from jax.experimental.pallas import tpu as pltpu
from jax.experimental.pallas import tpu_sc as plsc

EMB_DIM = 32
NC = 2
NS = 16
NW = NC * NS
PER_W = 25600
GSZ = 128
CH = 640
NG = CH // GSZ
G = PER_W // CH
NBUF = 4
IDX_ROWS = PER_W // GSZ
N_TOTAL = NW * PER_W

_mesh = plsc.VectorSubcoreMesh(core_axis_name="c", subcore_axis_name="s")


@functools.partial(
    pl.kernel,
    out_type=jax.ShapeDtypeStruct((N_TOTAL, EMB_DIM), jnp.float32),
    mesh=_mesh,
    scratch_types=[
        pltpu.VMEM((IDX_ROWS, GSZ), jnp.int32),
        [pltpu.VMEM((CH, EMB_DIM), jnp.float32) for _ in range(NBUF)],
        [pltpu.SemaphoreType.DMA for _ in range(NBUF)],
        [pltpu.SemaphoreType.DMA for _ in range(NBUF)],
    ],
    compiler_params=pltpu.CompilerParams(use_tc_tiling_on_sc=False),
)
def _sc_gather(idx_hbm, table_hbm, out_hbm, idx_v, bufs, gsems, wsems):
    wid = lax.axis_index("s") * NC + lax.axis_index("c")
    pltpu.sync_copy(idx_hbm.at[wid], idx_v)
    out_base = wid * PER_W

    def fire(c, b):
        for j in range(NG):
            pltpu.make_async_copy(
                table_hbm.at[idx_v.at[c * NG + j]],
                bufs[b].at[pl.ds(j * GSZ, GSZ)],
                gsems[b],
            ).start()

    def drain_g(b):
        pltpu.make_async_copy(
            out_hbm.at[pl.ds(0, CH)], bufs[b], gsems[b]).wait()

    def wb(c, b):
        pltpu.make_async_copy(
            bufs[b], out_hbm.at[pl.ds(out_base + c * CH, CH)], wsems[b]
        ).start()

    def drain_w(b):
        pltpu.make_async_copy(
            bufs[b], out_hbm.at[pl.ds(0, CH)], wsems[b]).wait()

    for b in range(NBUF):
        fire(b, b)

    nit = G // NBUF

    def body(i, carry):
        c0 = i * NBUF
        for b in range(NBUF):
            drain_g(b)
            wb(c0 + b, b)

        @pl.when(i + 1 < nit)
        def _():
            for b in range(NBUF):
                drain_w(b)
                fire(c0 + NBUF + b, b)

        return carry

    lax.fori_loop(0, nit, body, 0)
    for b in range(NBUF):
        drain_w(b)


def kernel(timestep, embeddings):
    idx = timestep.reshape(-1).astype(jnp.int32)
    idx = idx.reshape(NW, IDX_ROWS, GSZ)
    out = _sc_gather(idx, embeddings)
    return out.reshape(timestep.shape + (EMB_DIM,))

# --- scband reference (transcript-rebuilt; emitter-appended) ---
"""Pipeline reference for scband-timestep-embedding-8409545966003 (READ-ONLY COPY).

The authoritative reference and input builder live on the scoring server;
editing this copy changes nothing except your own understanding.
"""

import jax, jax.numpy as jnp
import numpy as np

MAX_TIMESTEP = 100000
EMB_DIM = 32

def setup_inputs(seed: int = 0) -> dict:
    key = jax.random.key(seed)
    k1, k2 = jax.random.split(key)
    timestep = jax.random.randint(k1, (4096, 200), 0, MAX_TIMESTEP, dtype=jnp.int64 if jax.config.jax_enable_x64 else jnp.int32)
    embeddings = jax.random.normal(k2, (MAX_TIMESTEP, EMB_DIM), dtype=jnp.float32) * 0.02
    return {"timestep": timestep, "embeddings": embeddings}

def reference(timestep, embeddings):
    # Faithful translation of TimestepEmbedding.__call__: pe[timestep]
    return jnp.take(embeddings, timestep, axis=0)

if __name__ == "__main__":
    import jax
    _d = setup_inputs()
    print(jax.jit(kernel)(*tuple(_d.values())))

</pallas_src>

<mosaic_0001>
#map = affine_map<(d0, d1) -> (0, 0, 0)>
#map1 = affine_map<(d0, d1) -> (0, 0)>
module attributes {stable_mosaic.version = 14 : i64} {
  func.func @_sc_gather(%arg0: i32, %arg1: i32, %arg2: memref<32x200x128xi32, #tpu.memory_space<hbm>>, %arg3: memref<100000x32xf32, #tpu.memory_space<hbm>>, %arg4: memref<819200x32xf32, #tpu.memory_space<hbm>>, %arg5: memref<200x128xi32, #tpu.memory_space<vmem>>, %arg6: memref<640x32xf32, #tpu.memory_space<vmem>>, %arg7: memref<640x32xf32, #tpu.memory_space<vmem>>, %arg8: memref<640x32xf32, #tpu.memory_space<vmem>>, %arg9: memref<640x32xf32, #tpu.memory_space<vmem>>, %arg10: memref<!tpu.dma_semaphore, #tpu.memory_space<semaphore_mem>>, %arg11: memref<!tpu.dma_semaphore, #tpu.memory_space<semaphore_mem>>, %arg12: memref<!tpu.dma_semaphore, #tpu.memory_space<semaphore_mem>>, %arg13: memref<!tpu.dma_semaphore, #tpu.memory_space<semaphore_mem>>, %arg14: memref<!tpu.dma_semaphore, #tpu.memory_space<semaphore_mem>>, %arg15: memref<!tpu.dma_semaphore, #tpu.memory_space<semaphore_mem>>, %arg16: memref<!tpu.dma_semaphore, #tpu.memory_space<semaphore_mem>>, %arg17: memref<!tpu.dma_semaphore, #tpu.memory_space<semaphore_mem>>) attributes {dimension_semantics = [#tpu.dimension_semantics<core_parallel>, #tpu.dimension_semantics<subcore_parallel>], iteration_bounds = array<i64: 2, 16>, scalar_prefetch = 0 : i64, scratch_operands = 13 : i64, tpu.core_type = #tpu.core_type<sc_vector_subcore>, window_params = [{transform_indices = #map}, {transform_indices = #map1}, {transform_indices = #map1}]} {
    %mul3A = arith.constant 2 : i32
    %mul3A_0 = arith.muli %arg1, %mul3A : i32
    %add3A = arith.addi %mul3A_0, %arg0 : i32
    "tpu.region"() ({
      %run_scoped3A = tpu.sem_alloc : memref<!tpu.dma_semaphore, #tpu.memory_space<semaphore_mem>>
      %dma_start3A_230 = arith.constant 0 : i32
      %dma_start3A_231 = arith.constant 0 : i32
      %dma_start3A_232 = tpu.memref_slice %arg2[%add3A, %dma_start3A_230, %dma_start3A_231] : memref<32x200x128xi32, #tpu.memory_space<hbm>> -> memref<1x200x128xi32, #tpu.memory_space<hbm>>
      %dma_start3A_233 = tpu.memref_squeeze %dma_start3A_232 : memref<1x200x128xi32, #tpu.memory_space<hbm>> -> memref<200x128xi32, #tpu.memory_space<hbm>>
      %dma_start3A_234 = arith.constant 0 : i32
      %dma_start3A_235 = arith.constant 0 : i32
      %dma_start3A_236 = tpu.memref_slice %arg2[%add3A, %dma_start3A_234, %dma_start3A_235] : memref<32x200x128xi32, #tpu.memory_space<hbm>> -> memref<1x200x128xi32, #tpu.memory_space<hbm>>
      %dma_start3A_237 = tpu.memref_squeeze %dma_start3A_236 : memref<1x200x128xi32, #tpu.memory_space<hbm>> -> memref<200x128xi32, #tpu.memory_space<hbm>>
      tpu.enqueue_dma source(%dma_start3A_237 : memref<200x128xi32, #tpu.memory_space<hbm>>) target(%arg5 : memref<200x128xi32, #tpu.memory_space<vmem>>) target_semaphore(%run_scoped3A : memref<!tpu.dma_semaphore, #tpu.memory_space<semaphore_mem>>)
      %dma_wait3A_238 = arith.constant 0 : i32
      %dma_wait3A_239 = arith.constant 0 : i32
      %dma_wait3A_240 = tpu.memref_slice %arg2[%add3A, %dma_wait3A_238, %dma_wait3A_239] : memref<32x200x128xi32, #tpu.memory_space<hbm>> -> memref<1x200x128xi32, #tpu.memory_space<hbm>>
      %dma_wait3A_241 = tpu.memref_squeeze %dma_wait3A_240 : memref<1x200x128xi32, #tpu.memory_space<hbm>> -> memref<200x128xi32, #tpu.memory_space<hbm>>
      %dma_wait3A_242 = arith.constant 0 : i32
      %dma_wait3A_243 = arith.constant 0 : i32
      %dma_wait3A_244 = tpu.memref_slice %arg2[%add3A, %dma_wait3A_242, %dma_wait3A_243] : memref<32x200x128xi32, #tpu.memory_space<hbm>> -> memref<1x200x128xi32, #tpu.memory_space<hbm>>
      %dma_wait3A_245 = tpu.memref_squeeze %dma_wait3A_244 : memref<1x200x128xi32, #tpu.memory_space<hbm>> -> memref<200x128xi32, #tpu.memory_space<hbm>>
      tpu.wait_dma2 semaphore(%run_scoped3A : memref<!tpu.dma_semaphore, #tpu.memory_space<semaphore_mem>>) src(%dma_wait3A_245 : memref<200x128xi32, #tpu.memory_space<hbm>>) dst(%arg5 : memref<200x128xi32, #tpu.memory_space<vmem>>)
      tpu.yield
    }) : () -> ()
    %mul3A_1 = arith.constant 25600 : i32
    %mul3A_2 = arith.muli %add3A, %mul3A_1 : i32
    %dma_start3A = arith.constant 0 : i32
    %dma_start3A_3 = arith.constant 0 : i32
    %dma_start3A_4 = arith.constant 0 : i32
    %dma_start3A_5 = tpu.memref_slice %arg6[%dma_start3A_3, %dma_start3A_4] : memref<640x32xf32, #tpu.memory_space<vmem>> -> memref<128x32xf32, #tpu.memory_space<vmem>>
    %dma_start3A_6 = arith.constant 0 : i32
    %dma_start3A_7 = tpu.memref_slice %arg5[%dma_start3A, %dma_start3A_6] : memref<200x128xi32, #tpu.memory_space<vmem>> -> memref<1x128xi32, #tpu.memory_space<vmem>>
    %dma_start3A_8 = tpu.memref_squeeze %dma_start3A_7 : memref<1x128xi32, #tpu.memory_space<vmem>> -> memref<128xi32, #tpu.memory_space<vmem>>
    %dma_start3A_9 = arith.constant 0 : i32
    %dma_start3A_10 = arith.constant 0 : i32
    %dma_start3A_11 = tpu.memref_slice %arg3[%dma_start3A_9, %dma_start3A_10] : memref<100000x32xf32, #tpu.memory_space<hbm>> -> memref<100000x32xf32, #tpu.memory_space<hbm>>
    tpu.enqueue_indirect_dma source(%dma_start3A_11 : memref<100000x32xf32, #tpu.memory_space<hbm>>) target(%dma_start3A_5 : memref<128x32xf32, #tpu.memory_space<vmem>>) offsets(%dma_start3A_8 : memref<128xi32, #tpu.memory_space<vmem>>) semaphore(%arg10 : memref<!tpu.dma_semaphore, #tpu.memory_space<semaphore_mem>>)
    %dma_start3A_12 = arith.constant 1 : i32
    %dma_start3A_13 = arith.constant 128 : i32
    %dma_start3A_14 = arith.constant 0 : i32
    %dma_start3A_15 = tpu.memref_slice %arg6[%dma_start3A_13, %dma_start3A_14] : memref<640x32xf32, #tpu.memory_space<vmem>> -> memref<128x32xf32, #tpu.memory_space<vmem>>
    %dma_start3A_16 = arith.constant 0 : i32
    %dma_start3A_17 = tpu.memref_slice %arg5[%dma_start3A_12, %dma_start3A_16] : memref<200x128xi32, #tpu.memory_space<vmem>> -> memref<1x128xi32, #tpu.memory_space<vmem>>
    %dma_start3A_18 = tpu.memref_squeeze %dma_start3A_17 : memref<1x128xi32, #tpu.memory_space<vmem>> -> memref<128xi32, #tpu.memory_space<vmem>>
    %dma_start3A_19 = arith.constant 0 : i32
    %dma_start3A_20 = arith.constant 0 : i32
    %dma_start3A_21 = tpu.memref_slice %arg3[%dma_start3A_19, %dma_start3A_20] : memref<100000x32xf32, #tpu.memory_space<hbm>> -> memref<100000x32xf32, #tpu.memory_space<hbm>>
    tpu.enqueue_indirect_dma source(%dma_start3A_21 : memref<100000x32xf32, #tpu.memory_space<hbm>>) target(%dma_start3A_15 : memref<128x32xf32, #tpu.memory_space<vmem>>) offsets(%dma_start3A_18 : memref<128xi32, #tpu.memory_space<vmem>>) semaphore(%arg10 : memref<!tpu.dma_semaphore, #tpu.memory_space<semaphore_mem>>)
    %dma_start3A_22 = arith.constant 2 : i32
    %dma_start3A_23 = arith.constant 256 : i32
    %dma_start3A_24 = arith.constant 0 : i32
    %dma_start3A_25 = tpu.memref_slice %arg6[%dma_start3A_23, %dma_start3A_24] : memref<640x32xf32, #tpu.memory_space<vmem>> -> memref<128x32xf32, #tpu.memory_space<vmem>>
    %dma_start3A_26 = arith.constant 0 : i32
    %dma_start3A_27 = tpu.memref_slice %arg5[%dma_start3A_22, %dma_start3A_26] : memref<200x128xi32, #tpu.memory_space<vmem>> -> memref<1x128xi32, #tpu.memory_space<vmem>>
    %dma_start3A_28 = tpu.memref_squeeze %dma_start3A_27 : memref<1x128xi32, #tpu.memory_space<vmem>> -> memref<128xi32, #tpu.memory_space<vmem>>
    %dma_start3A_29 = arith.constant 0 : i32
    %dma_start3A_30 = arith.constant 0 : i32
    %dma_start3A_31 = tpu.memref_slice %arg3[%dma_start3A_29, %dma_start3A_30] : memref<100000x32xf32, #tpu.memory_space<hbm>> -> memref<100000x32xf32, #tpu.memory_space<hbm>>
    tpu.enqueue_indirect_dma source(%dma_start3A_31 : memref<100000x32xf32, #tpu.memory_space<hbm>>) target(%dma_start3A_25 : memref<128x32xf32, #tpu.memory_space<vmem>>) offsets(%dma_start3A_28 : memref<128xi32, #tpu.memory_space<vmem>>) semaphore(%arg10 : memref<!tpu.dma_semaphore, #tpu.memory_space<semaphore_mem>>)
    %dma_start3A_32 = arith.constant 3 : i32
    %dma_start3A_33 = arith.constant 384 : i32
    %dma_start3A_34 = arith.constant 0 : i32
    %dma_start3A_35 = tpu.memref_slice %arg6[%dma_start3A_33, %dma_start3A_34] : memref<640x32xf32, #tpu.memory_space<vmem>> -> memref<128x32xf32, #tpu.memory_space<vmem>>
    %dma_start3A_36 = arith.constant 0 : i32
    %dma_start3A_37 = tpu.memref_slice %arg5[%dma_start3A_32, %dma_start3A_36] : memref<200x128xi32, #tpu.memory_space<vmem>> -> memref<1x128xi32, #tpu.memory_space<vmem>>
    %dma_start3A_38 = tpu.memref_squeeze %dma_start3A_37 : memref<1x128xi32, #tpu.memory_space<vmem>> -> memref<128xi32, #tpu.memory_space<vmem>>
    %dma_start3A_39 = arith.constant 0 : i32
    %dma_start3A_40 = arith.constant 0 : i32
    %dma_start3A_41 = tpu.memref_slice %arg3[%dma_start3A_39, %dma_start3A_40] : memref<100000x32xf32, #tpu.memory_space<hbm>> -> memref<100000x32xf32, #tpu.memory_space<hbm>>
    tpu.enqueue_indirect_dma source(%dma_start3A_41 : memref<100000x32xf32, #tpu.memory_space<hbm>>) target(%dma_start3A_35 : memref<128x32xf32, #tpu.memory_space<vmem>>) offsets(%dma_start3A_38 : memref<128xi32, #tpu.memory_space<vmem>>) semaphore(%arg10 : memref<!tpu.dma_semaphore, #tpu.memory_space<semaphore_mem>>)
    %dma_start3A_42 = arith.constant 4 : i32
    %dma_start3A_43 = arith.constant 512 : i32
    %dma_start3A_44 = arith.constant 0 : i32
    %dma_start3A_45 = tpu.memref_slice %arg6[%dma_start3A_43, %dma_start3A_44] : memref<640x32xf32, #tpu.memory_space<vmem>> -> memref<128x32xf32, #tpu.memory_space<vmem>>
    %dma_start3A_46 = arith.constant 0 : i32
    %dma_start3A_47 = tpu.memref_slice %arg5[%dma_start3A_42, %dma_start3A_46] : memref<200x128xi32, #tpu.memory_space<vmem>> -> memref<1x128xi32, #tpu.memory_space<vmem>>
    %dma_start3A_48 = tpu.memref_squeeze %dma_start3A_47 : memref<1x128xi32, #tpu.memory_space<vmem>> -> memref<128xi32, #tpu.memory_space<vmem>>
    %dma_start3A_49 = arith.constant 0 : i32
    %dma_start3A_50 = arith.constant 0 : i32
    %dma_start3A_51 = tpu.memref_slice %arg3[%dma_start3A_49, %dma_start3A_50] : memref<100000x32xf32, #tpu.memory_space<hbm>> -> memref<100000x32xf32, #tpu.memory_space<hbm>>
    tpu.enqueue_indirect_dma source(%dma_start3A_51 : memref<100000x32xf32, #tpu.memory_space<hbm>>) target(%dma_start3A_45 : memref<128x32xf32, #tpu.memory_space<vmem>>) offsets(%dma_start3A_48 : memref<128xi32, #tpu.memory_space<vmem>>) semaphore(%arg10 : memref<!tpu.dma_semaphore, #tpu.memory_space<semaphore_mem>>)
    %dma_start3A_52 = arith.constant 5 : i32
    %dma_start3A_53 = arith.constant 0 : i32
    %dma_start3A_54 = arith.constant 0 : i32
    %dma_start3A_55 = tpu.memref_slice %arg7[%dma_start3A_53, %dma_start3A_54] : memref<640x32xf32, #tpu.memory_space<vmem>> -> memref<128x32xf32, #tpu.memory_space<vmem>>
    %dma_start3A_56 = arith.constant 0 : i32
    %dma_start3A_57 = tpu.memref_slice %arg5[%dma_start3A_52, %dma_start3A_56] : memref<200x128xi32, #tpu.memory_space<vmem>> -> memref<1x128xi32, #tpu.memory_space<vmem>>
    %dma_start3A_58 = tpu.memref_squeeze %dma_start3A_57 : memref<1x128xi32, #tpu.memory_space<vmem>> -> memref<128xi32, #tpu.memory_space<vmem>>
    %dma_start3A_59 = arith.constant 0 : i32
    %dma_start3A_60 = arith.constant 0 : i32
    %dma_start3A_61 = tpu.memref_slice %arg3[%dma_start3A_59, %dma_start3A_60] : memref<100000x32xf32, #tpu.memory_space<hbm>> -> memref<100000x32xf32, #tpu.memory_space<hbm>>
    tpu.enqueue_indirect_dma source(%dma_start3A_61 : memref<100000x32xf32, #tpu.memory_space<hbm>>) target(%dma_start3A_55 : memref<128x32xf32, #tpu.memory_space<vmem>>) offsets(%dma_start3A_58 : memref<128xi32, #tpu.memory_space<vmem>>) semaphore(%arg11 : memref<!tpu.dma_semaphore, #tpu.memory_space<semaphore_mem>>)
    %dma_start3A_62 = arith.constant 6 : i32
    %dma_start3A_63 = arith.constant 128 : i32
    %dma_start3A_64 = arith.constant 0 : i32
    %dma_start3A_65 = tpu.memref_slice %arg7[%dma_start3A_63, %dma_start3A_64] : memref<640x32xf32, #tpu.memory_space<vmem>> -> memref<128x32xf32, #tpu.memory_space<vmem>>
    %dma_start3A_66 = arith.constant 0 : i32
    %dma_start3A_67 = tpu.memref_slice %arg5[%dma_start3A_62, %dma_start3A_66] : memref<200x128xi32, #tpu.memory_space<vmem>> -> memref<1x128xi32, #tpu.memory_space<vmem>>
    %dma_start3A_68 = tpu.memref_squeeze %dma_start3A_67 : memref<1x128xi32, #tpu.memory_space<vmem>> -> memref<128xi32, #tpu.memory_space<vmem>>
    %dma_start3A_69 = arith.constant 0 : i32
    %dma_start3A_70 = arith.constant 0 : i32
    %dma_start3A_71 = tpu.memref_slice %arg3[%dma_start3A_69, %dma_start3A_70] : memref<100000x32xf32, #tpu.memory_space<hbm>> -> memref<100000x32xf32, #tpu.memory_space<hbm>>
    tpu.enqueue_indirect_dma source(%dma_start3A_71 : memref<100000x32xf32, #tpu.memory_space<hbm>>) target(%dma_start3A_65 : memref<128x32xf32, #tpu.memory_space<vmem>>) offsets(%dma_start3A_68 : memref<128xi32, #tpu.memory_space<vmem>>) semaphore(%arg11 : memref<!tpu.dma_semaphore, #tpu.memory_space<semaphore_mem>>)
    %dma_start3A_72 = arith.constant 7 : i32
    %dma_start3A_73 = arith.constant 256 : i32
    %dma_start3A_74 = arith.constant 0 : i32
    %dma_start3A_75 = tpu.memref_slice %arg7[%dma_start3A_73, %dma_start3A_74] : memref<640x32xf32, #tpu.memory_space<vmem>> -> memref<128x32xf32, #tpu.memory_space<vmem>>
    %dma_start3A_76 = arith.constant 0 : i32
    %dma_start3A_77 = tpu.memref_slice %arg5[%dma_start3A_72, %dma_start3A_76] : memref<200x128xi32, #tpu.memory_space<vmem>> -> memref<1x128xi32, #tpu.memory_space<vmem>>
    %dma_start3A_78 = tpu.memref_squeeze %dma_start3A_77 : memref<1x128xi32, #tpu.memory_space<vmem>> -> memref<128xi32, #tpu.memory_space<vmem>>
    %dma_start3A_79 = arith.constant 0 : i32
    %dma_start3A_80 = arith.constant 0 : i32
    %dma_start3A_81 = tpu.memref_slice %arg3[%dma_start3A_79, %dma_start3A_80] : memref<100000x32xf32, #tpu.memory_space<hbm>> -> memref<100000x32xf32, #tpu.memory_space<hbm>>
    tpu.enqueue_indirect_dma source(%dma_start3A_81 : memref<100000x32xf32, #tpu.memory_space<hbm>>) target(%dma_start3A_75 : memref<128x32xf32, #tpu.memory_space<vmem>>) offsets(%dma_start3A_78 : memref<128xi32, #tpu.memory_space<vmem>>) semaphore(%arg11 : memref<!tpu.dma_semaphore, #tpu.memory_space<semaphore_mem>>)
    %dma_start3A_82 = arith.constant 8 : i32
    %dma_start3A_83 = arith.constant 384 : i32
    %dma_start3A_84 = arith.constant 0 : i32
    %dma_start3A_85 = tpu.memref_slice %arg7[%dma_start3A_83, %dma_start3A_84] : memref<640x32xf32, #tpu.memory_space<vmem>> -> memref<128x32xf32, #tpu.memory_space<vmem>>
    %dma_start3A_86 = arith.constant 0 : i32
    %dma_start3A_87 = tpu.memref_slice %arg5[%dma_start3A_82, %dma_start3A_86] : memref<200x128xi32, #tpu.memory_space<vmem>> -> memref<1x128xi32, #tpu.memory_space<vmem>>
    %dma_start3A_88 = tpu.memref_squeeze %dma_start3A_87 : memref<1x128xi32, #tpu.memory_space<vmem>> -> memref<128xi32, #tpu.memory_space<vmem>>
    %dma_start3A_89 = arith.constant 0 : i32
    %dma_start3A_90 = arith.constant 0 : i32
    %dma_start3A_91 = tpu.memref_slice %arg3[%dma_start3A_89, %dma_start3A_90] : memref<100000x32xf32, #tpu.memory_space<hbm>> -> memref<100000x32xf32, #tpu.memory_space<hbm>>
    tpu.enqueue_indirect_dma source(%dma_start3A_91 : memref<100000x32xf32, #tpu.memory_space<hbm>>) target(%dma_start3A_85 : memref<128x32xf32, #tpu.memory_space<vmem>>) offsets(%dma_start3A_88 : memref<128xi32, #tpu.memory_space<vmem>>) semaphore(%arg11 : memref<!tpu.dma_semaphore, #tpu.memory_space<semaphore_mem>>)
    %dma_start3A_92 = arith.constant 9 : i32
    %dma_start3A_93 = arith.constant 512 : i32
    %dma_start3A_94 = arith.constant 0 : i32
    %dma_start3A_95 = tpu.memref_slice %arg7[%dma_start3A_93, %dma_start3A_94] : memref<640x32xf32, #tpu.memory_space<vmem>> -> memref<128x32xf32, #tpu.memory_space<vmem>>
    %dma_start3A_96 = arith.constant 0 : i32
    %dma_start3A_97 = tpu.memref_slice %arg5[%dma_start3A_92, %dma_start3A_96] : memref<200x128xi32, #tpu.memory_space<vmem>> -> memref<1x128xi32, #tpu.memory_space<vmem>>
    %dma_start3A_98 = tpu.memref_squeeze %dma_start3A_97 : memref<1x128xi32, #tpu.memory_space<vmem>> -> memref<128xi32, #tpu.memory_space<vmem>>
    %dma_start3A_99 = arith.constant 0 : i32
    %dma_start3A_100 = arith.constant 0 : i32
    %dma_start3A_101 = tpu.memref_slice %arg3[%dma_start3A_99, %dma_start3A_100] : memref<100000x32xf32, #tpu.memory_space<hbm>> -> memref<100000x32xf32, #tpu.memory_space<hbm>>
    tpu.enqueue_indirect_dma source(%dma_start3A_101 : memref<100000x32xf32, #tpu.memory_space<hbm>>) target(%dma_start3A_95 : memref<128x32xf32, #tpu.memory_space<vmem>>) offsets(%dma_start3A_98 : memref<128xi32, #tpu.memory_space<vmem>>) semaphore(%arg11 : memref<!tpu.dma_semaphore, #tpu.memory_space<semaphore_mem>>)
    %dma_start3A_102 = arith.constant 10 : i32
    %dma_start3A_103 = arith.constant 0 : i32
    %dma_start3A_104 = arith.constant 0 : i32
    %dma_start3A_105 = tpu.memref_slice %arg8[%dma_start3A_103, %dma_start3A_104] : memref<640x32xf32, #tpu.memory_space<vmem>> -> memref<128x32xf32, #tpu.memory_space<vmem>>
    %dma_start3A_106 = arith.constant 0 : i32
    %dma_start3A_107 = tpu.memref_slice %arg5[%dma_start3A_102, %dma_start3A_106] : memref<200x128xi32, #tpu.memory_space<vmem>> -> memref<1x128xi32, #tpu.memory_space<vmem>>
    %dma_start3A_108 = tpu.memref_squeeze %dma_start3A_107 : memref<1x128xi32, #tpu.memory_space<vmem>> -> memref<128xi32, #tpu.memory_space<vmem>>
    %dma_start3A_109 = arith.constant 0 : i32
    %dma_start3A_110 = arith.constant 0 : i32
    %dma_start3A_111 = tpu.memref_slice %arg3[%dma_start3A_109, %dma_start3A_110] : memref<100000x32xf32, #tpu.memory_space<hbm>> -> memref<100000x32xf32, #tpu.memory_space<hbm>>
    tpu.enqueue_indirect_dma source(%dma_start3A_111 : memref<100000x32xf32, #tpu.memory_space<hbm>>) target(%dma_start3A_105 : memref<128x32xf32, #tpu.memory_space<vmem>>) offsets(%dma_start3A_108 : memref<128xi32, #tpu.memory_space<vmem>>) semaphore(%arg12 : memref<!tpu.dma_semaphore, #tpu.memory_space<semaphore_mem>>)
    %dma_start3A_112 = arith.constant 11 : i32
    %dma_start3A_113 = arith.constant 128 : i32
    %dma_start3A_114 = arith.constant 0 : i32
    %dma_start3A_115 = tpu.memref_slice %arg8[%dma_start3A_113, %dma_start3A_114] : memref<640x32xf32, #tpu.memory_space<vmem>> -> memref<128x32xf32, #tpu.memory_space<vmem>>
    %dma_start3A_116 = arith.constant 0 : i32
    %dma_start3A_117 = tpu.memref_slice %arg5[%dma_start3A_112, %dma_start3A_116] : memref<200x128xi32, #tpu.memory_space<vmem>> -> memref<1x128xi32, #tpu.memory_space<vmem>>
    %dma_start3A_118 = tpu.memref_squeeze %dma_start3A_117 : memref<1x128xi32, #tpu.memory_space<vmem>> -> memref<128xi32, #tpu.memory_space<vmem>>
    %dma_start3A_119 = arith.constant 0 : i32
    %dma_start3A_120 = arith.constant 0 : i32
    %dma_start3A_121 = tpu.memref_slice %arg3[%dma_start3A_119, %dma_start3A_120] : memref<100000x32xf32, #tpu.memory_space<hbm>> -> memref<100000x32xf32, #tpu.memory_space<hbm>>
    tpu.enqueue_indirect_dma source(%dma_start3A_121 : memref<100000x32xf32, #tpu.memory_space<hbm>>) target(%dma_start3A_115 : memref<128x32xf32, #tpu.memory_space<vmem>>) offsets(%dma_start3A_118 : memref<128xi32, #tpu.memory_space<vmem>>) semaphore(%arg12 : memref<!tpu.dma_semaphore, #tpu.memory_space<semaphore_mem>>)
    %dma_start3A_122 = arith.constant 12 : i32
    %dma_start3A_123 = arith.constant 256 : i32
    %dma_start3A_124 = arith.constant 0 : i32
    %dma_start3A_125 = tpu.memref_slice %arg8[%dma_start3A_123, %dma_start3A_124] : memref<640x32xf32, #tpu.memory_space<vmem>> -> memref<128x32xf32, #tpu.memory_space<vmem>>
    %dma_start3A_126 = arith.constant 0 : i32
    %dma_start3A_127 = tpu.memref_slice %arg5[%dma_start3A_122, %dma_start3A_126] : memref<200x128xi32, #tpu.memory_space<vmem>> -> memref<1x128xi32, #tpu.memory_space<vmem>>
    %dma_start3A_128 = tpu.memref_squeeze %dma_start3A_127 : memref<1x128xi32, #tpu.memory_space<vmem>> -> memref<128xi32, #tpu.memory_space<vmem>>
    %dma_start3A_129 = arith.constant 0 : i32
    %dma_start3A_130 = arith.constant 0 : i32
    %dma_start3A_131 = tpu.memref_slice %arg3[%dma_start3A_129, %dma_start3A_130] : memref<100000x32xf32, #tpu.memory_space<hbm>> -> memref<100000x32xf32, #tpu.memory_space<hbm>>
    tpu.enqueue_indirect_dma source(%dma_start3A_131 : memref<100000x32xf32, #tpu.memory_space<hbm>>) target(%dma_start3A_125 : memref<128x32xf32, #tpu.memory_space<vmem>>) offsets(%dma_start3A_128 : memref<128xi32, #tpu.memory_space<vmem>>) semaphore(%arg12 : memref<!tpu.dma_semaphore, #tpu.memory_space<semaphore_mem>>)
    %dma_start3A_132 = arith.constant 13 : i32
    %dma_start3A_133 = arith.constant 384 : i32
    %dma_start3A_134 = arith.constant 0 : i32
    %dma_start3A_135 = tpu.memref_slice %arg8[%dma_start3A_133, %dma_start3A_134] : memref<640x32xf32, #tpu.memory_space<vmem>> -> memref<128x32xf32, #tpu.memory_space<vmem>>
    %dma_start3A_136 = arith.constant 0 : i32
    %dma_start3A_137 = tpu.memref_slice %arg5[%dma_start3A_132, %dma_start3A_136] : memref<200x128xi32, #tpu.memory_space<vmem>> -> memref<1x128xi32, #tpu.memory_space<vmem>>
    %dma_start3A_138 = tpu.memref_squeeze %dma_start3A_137 : memref<1x128xi32, #tpu.memory_space<vmem>> -> memref<128xi32, #tpu.memory_space<vmem>>
    %dma_start3A_139 = arith.constant 0 : i32
    %dma_start3A_140 = arith.constant 0 : i32
    %dma_start3A_141 = tpu.memref_slice %arg3[%dma_start3A_139, %dma_start3A_140] : memref<100000x32xf32, #tpu.memory_space<hbm>> -> memref<100000x32xf32, #tpu.memory_space<hbm>>
    tpu.enqueue_indirect_dma source(%dma_start3A_141 : memref<100000x32xf32, #tpu.memory_space<hbm>>) target(%dma_start3A_135 : memref<128x32xf32, #tpu.memory_space<vmem>>) offsets(%dma_start3A_138 : memref<128xi32, #tpu.memory_space<vmem>>) semaphore(%arg12 : memref<!tpu.dma_semaphore, #tpu.memory_space<semaphore_mem>>)
    %dma_start3A_142 = arith.constant 14 : i32
    %dma_start3A_143 = arith.constant 512 : i32
    %dma_start3A_144 = arith.constant 0 : i32
    %dma_start3A_145 = tpu.memref_slice %arg8[%dma_start3A_143, %dma_start3A_144] : memref<640x32xf32, #tpu.memory_space<vmem>> -> memref<128x32xf32, #tpu.memory_space<vmem>>
    %dma_start3A_146 = arith.constant 0 : i32
    %dma_start3A_147 = tpu.memref_slice %arg5[%dma_start3A_142, %dma_start3A_146] : memref<200x128xi32, #tpu.memory_space<vmem>> -> memref<1x128xi32, #tpu.memory_space<vmem>>
    %dma_start3A_148 = tpu.memref_squeeze %dma_start3A_147 : memref<1x128xi32, #tpu.memory_space<vmem>> -> memref<128xi32, #tpu.memory_space<vmem>>
    %dma_start3A_149 = arith.constant 0 : i32
    %dma_start3A_150 = arith.constant 0 : i32
    %dma_start3A_151 = tpu.memref_slice %arg3[%dma_start3A_149, %dma_start3A_150] : memref<100000x32xf32, #tpu.memory_space<hbm>> -> memref<100000x32xf32, #tpu.memory_space<hbm>>
    tpu.enqueue_indirect_dma source(%dma_start3A_151 : memref<100000x32xf32, #tpu.memory_space<hbm>>) target(%dma_start3A_145 : memref<128x32xf32, #tpu.memory_space<vmem>>) offsets(%dma_start3A_148 : memref<128xi32, #tpu.memory_space<vmem>>) semaphore(%arg12 : memref<!tpu.dma_semaphore, #tpu.memory_space<semaphore_mem>>)
    %dma_start3A_152 = arith.constant 15 : i32
    %dma_start3A_153 = arith.constant 0 : i32
    %dma_start3A_154 = arith.constant 0 : i32
    %dma_start3A_155 = tpu.memref_slice %arg9[%dma_start3A_153, %dma_start3A_154] : memref<640x32xf32, #tpu.memory_space<vmem>> -> memref<128x32xf32, #tpu.memory_space<vmem>>
    %dma_start3A_156 = arith.constant 0 : i32
    %dma_start3A_157 = tpu.memref_slice %arg5[%dma_start3A_152, %dma_start3A_156] : memref<200x128xi32, #tpu.memory_space<vmem>> -> memref<1x128xi32, #tpu.memory_space<vmem>>
    %dma_start3A_158 = tpu.memref_squeeze %dma_start3A_157 : memref<1x128xi32, #tpu.memory_space<vmem>> -> memref<128xi32, #tpu.memory_space<vmem>>
    %dma_start3A_159 = arith.constant 0 : i32
    %dma_start3A_160 = arith.constant 0 : i32
    %dma_start3A_161 = tpu.memref_slice %arg3[%dma_start3A_159, %dma_start3A_160] : memref<100000x32xf32, #tpu.memory_space<hbm>> -> memref<100000x32xf32, #tpu.memory_space<hbm>>
    tpu.enqueue_indirect_dma source(%dma_start3A_161 : memref<100000x32xf32, #tpu.memory_space<hbm>>) target(%dma_start3A_155 : memref<128x32xf32, #tpu.memory_space<vmem>>) offsets(%dma_start3A_158 : memref<128xi32, #tpu.memory_space<vmem>>) semaphore(%arg13 : memref<!tpu.dma_semaphore, #tpu.memory_space<semaphore_mem>>)
    %dma_start3A_162 = arith.constant 16 : i32
    %dma_start3A_163 = arith.constant 128 : i32
    %dma_start3A_164 = arith.constant 0 : i32
    %dma_start3A_165 = tpu.memref_slice %arg9[%dma_start3A_163, %dma_start3A_164] : memref<640x32xf32, #tpu.memory_space<vmem>> -> memref<128x32xf32, #tpu.memory_space<vmem>>
    %dma_start3A_166 = arith.constant 0 : i32
    %dma_start3A_167 = tpu.memref_slice %arg5[%dma_start3A_162, %dma_start3A_166] : memref<200x128xi32, #tpu.memory_space<vmem>> -> memref<1x128xi32, #tpu.memory_space<vmem>>
    %dma_start3A_168 = tpu.memref_squeeze %dma_start3A_167 : memref<1x128xi32, #tpu.memory_space<vmem>> -> memref<128xi32, #tpu.memory_space<vmem>>
    %dma_start3A_169 = arith.constant 0 : i32
    %dma_start3A_170 = arith.constant 0 : i32
    %dma_start3A_171 = tpu.memref_slice %arg3[%dma_start3A_169, %dma_start3A_170] : memref<100000x32xf32, #tpu.memory_space<hbm>> -> memref<100000x32xf32, #tpu.memory_space<hbm>>
    tpu.enqueue_indirect_dma source(%dma_start3A_171 : memref<100000x32xf32, #tpu.memory_space<hbm>>) target(%dma_start3A_165 : memref<128x32xf32, #tpu.memory_space<vmem>>) offsets(%dma_start3A_168 : memref<128xi32, #tpu.memory_space<vmem>>) semaphore(%arg13 : memref<!tpu.dma_semaphore, #tpu.memory_space<semaphore_mem>>)
    %dma_start3A_172 = arith.constant 17 : i32
    %dma_start3A_173 = arith.constant 256 : i32
    %dma_start3A_174 = arith.constant 0 : i32
    %dma_start3A_175 = tpu.memref_slice %arg9[%dma_start3A_173, %dma_start3A_174] : memref<640x32xf32, #tpu.memory_space<vmem>> -> memref<128x32xf32, #tpu.memory_space<vmem>>
    %dma_start3A_176 = arith.constant 0 : i32
    %dma_start3A_177 = tpu.memref_slice %arg5[%dma_start3A_172, %dma_start3A_176] : memref<200x128xi32, #tpu.memory_space<vmem>> -> memref<1x128xi32, #tpu.memory_space<vmem>>
    %dma_start3A_178 = tpu.memref_squeeze %dma_start3A_177 : memref<1x128xi32, #tpu.memory_space<vmem>> -> memref<128xi32, #tpu.memory_space<vmem>>
    %dma_start3A_179 = arith.constant 0 : i32
    %dma_start3A_180 = arith.constant 0 : i32
    %dma_start3A_181 = tpu.memref_slice %arg3[%dma_start3A_179, %dma_start3A_180] : memref<100000x32xf32, #tpu.memory_space<hbm>> -> memref<100000x32xf32, #tpu.memory_space<hbm>>
    tpu.enqueue_indirect_dma source(%dma_start3A_181 : memref<100000x32xf32, #tpu.memory_space<hbm>>) target(%dma_start3A_175 : memref<128x32xf32, #tpu.memory_space<vmem>>) offsets(%dma_start3A_178 : memref<128xi32, #tpu.memory_space<vmem>>) semaphore(%arg13 : memref<!tpu.dma_semaphore, #tpu.memory_space<semaphore_mem>>)
    %dma_start3A_182 = arith.constant 18 : i32
    %dma_start3A_183 = arith.constant 384 : i32
    %dma_start3A_184 = arith.constant 0 : i32
    %dma_start3A_185 = tpu.memref_slice %arg9[%dma_start3A_183, %dma_start3A_184] : memref<640x32xf32, #tpu.memory_space<vmem>> -> memref<128x32xf32, #tpu.memory_space<vmem>>
    %dma_start3A_186 = arith.constant 0 : i32
    %dma_start3A_187 = tpu.memref_slice %arg5[%dma_start3A_182, %dma_start3A_186] : memref<200x128xi32, #tpu.memory_space<vmem>> -> memref<1x128xi32, #tpu.memory_space<vmem>>
    %dma_start3A_188 = tpu.memref_squeeze %dma_start3A_187 : memref<1x128xi32, #tpu.memory_space<vmem>> -> memref<128xi32, #tpu.memory_space<vmem>>
    %dma_start3A_189 = arith.constant 0 : i32
    %dma_start3A_190 = arith.constant 0 : i32
    %dma_start3A_191 = tpu.memref_slice %arg3[%dma_start3A_189, %dma_start3A_190] : memref<100000x32xf32, #tpu.memory_space<hbm>> -> memref<100000x32xf32, #tpu.memory_space<hbm>>
    tpu.enqueue_indirect_dma source(%dma_start3A_191 : memref<100000x32xf32, #tpu.memory_space<hbm>>) target(%dma_start3A_185 : memref<128x32xf32, #tpu.memory_space<vmem>>) offsets(%dma_start3A_188 : memref<128xi32, #tpu.memory_space<vmem>>) semaphore(%arg13 : memref<!tpu.dma_semaphore, #tpu.memory_space<semaphore_mem>>)
    %dma_start3A_192 = arith.constant 19 : i32
    %dma_start3A_193 = arith.constant 512 : i32
    %dma_start3A_194 = arith.constant 0 : i32
    %dma_start3A_195 = tpu.memref_slice %arg9[%dma_start3A_193, %dma_start3A_194] : memref<640x32xf32, #tpu.memory_space<vmem>> -> memref<128x32xf32, #tpu.memory_space<vmem>>
    %dma_start3A_196 = arith.constant 0 : i32
    %dma_start3A_197 = tpu.memref_slice %arg5[%dma_start3A_192, %dma_start3A_196] : memref<200x128xi32, #tpu.memory_space<vmem>> -> memref<1x128xi32, #tpu.memory_space<vmem>>
    %dma_start3A_198 = tpu.memref_squeeze %dma_start3A_197 : memref<1x128xi32, #tpu.memory_space<vmem>> -> memref<128xi32, #tpu.memory_space<vmem>>
    %dma_start3A_199 = arith.constant 0 : i32
    %dma_start3A_200 = arith.constant 0 : i32
    %dma_start3A_201 = tpu.memref_slice %arg3[%dma_start3A_199, %dma_start3A_200] : memref<100000x32xf32, #tpu.memory_space<hbm>> -> memref<100000x32xf32, #tpu.memory_space<hbm>>
    tpu.enqueue_indirect_dma source(%dma_start3A_201 : memref<100000x32xf32, #tpu.memory_space<hbm>>) target(%dma_start3A_195 : memref<128x32xf32, #tpu.memory_space<vmem>>) offsets(%dma_start3A_198 : memref<128xi32, #tpu.memory_space<vmem>>) semaphore(%arg13 : memref<!tpu.dma_semaphore, #tpu.memory_space<semaphore_mem>>)
    %scan3A = arith.constant 0 : i32
    %scan3A_202 = arith.constant 0 : i32
    %scan3A_203 = arith.constant 10 : i32
    %scan3A_204 = arith.addi %scan3A_202, %scan3A_203 : i32
    %scan3A_205 = arith.constant 1 : i32
    scf.for %scan3A_230 = %scan3A_202 to %scan3A_204 step %scan3A_205  : i32 {
      %mul3A_231 = arith.constant 4 : i32
      %mul3A_232 = arith.muli %scan3A_230, %mul3A_231 : i32
      %dma_wait3A_233 = arith.constant 0 : i32
      %dma_wait3A_234 = arith.constant 0 : i32
      %dma_wait3A_235 = tpu.memref_slice %arg4[%dma_wait3A_233, %dma_wait3A_234] : memref<819200x32xf32, #tpu.memory_space<hbm>> -> memref<640x32xf32, #tpu.memory_space<hbm>>
      %dma_wait3A_236 = arith.constant 0 : i32
      %dma_wait3A_237 = arith.constant 0 : i32
      %dma_wait3A_238 = tpu.memref_slice %arg4[%dma_wait3A_236, %dma_wait3A_237] : memref<819200x32xf32, #tpu.memory_space<hbm>> -> memref<640x32xf32, #tpu.memory_space<hbm>>
      tpu.wait_dma2 semaphore(%arg10 : memref<!tpu.dma_semaphore, #tpu.memory_space<semaphore_mem>>) src(%dma_wait3A_238 : memref<640x32xf32, #tpu.memory_space<hbm>>) dst(%arg6 : memref<640x32xf32, #tpu.memory_space<vmem>>)
      %add3A_239 = arith.constant 0 : i32
      %add3A_240 = arith.addi %mul3A_232, %add3A_239 : i32
      %mul3A_241 = arith.constant 640 : i32
      %mul3A_242 = arith.muli %add3A_240, %mul3A_241 : i32
      %add3A_243 = arith.addi %mul3A_2, %mul3A_242 : i32
      %dma_start3A_244 = arith.constant 0 : i32
      %dma_start3A_245 = tpu.memref_slice %arg4[%add3A_243, %dma_start3A_244] : memref<819200x32xf32, #tpu.memory_space<hbm>> -> memref<640x32xf32, #tpu.memory_space<hbm>>
      %dma_start3A_246 = arith.constant 0 : i32
      %dma_start3A_247 = tpu.memref_slice %arg4[%add3A_243, %dma_start3A_246] : memref<819200x32xf32, #tpu.memory_space<hbm>> -> memref<640x32xf32, #tpu.memory_space<hbm>>
      tpu.enqueue_dma source(%arg6 : memref<640x32xf32, #tpu.memory_space<vmem>>) target(%dma_start3A_247 : memref<640x32xf32, #tpu.memory_space<hbm>>) target_semaphore(%arg14 : memref<!tpu.dma_semaphore, #tpu.memory_space<semaphore_mem>>)
      %dma_wait3A_248 = arith.constant 0 : i32
      %dma_wait3A_249 = arith.constant 0 : i32
      %dma_wait3A_250 = tpu.memref_slice %arg4[%dma_wait3A_248, %dma_wait3A_249] : memref<819200x32xf32, #tpu.memory_space<hbm>> -> memref<640x32xf32, #tpu.memory_space<hbm>>
      %dma_wait3A_251 = arith.constant 0 : i32
      %dma_wait3A_252 = arith.constant 0 : i32
      %dma_wait3A_253 = tpu.memref_slice %arg4[%dma_wait3A_251, %dma_wait3A_252] : memref<819200x32xf32, #tpu.memory_space<hbm>> -> memref<640x32xf32, #tpu.memory_space<hbm>>
      tpu.wait_dma2 semaphore(%arg11 : memref<!tpu.dma_semaphore, #tpu.memory_space<semaphore_mem>>) src(%dma_wait3A_253 : memref<640x32xf32, #tpu.memory_space<hbm>>) dst(%arg7 : memref<640x32xf32, #tpu.memory_space<vmem>>)
      %add3A_254 = arith.constant 1 : i32
      %add3A_255 = arith.addi %mul3A_232, %add3A_254 : i32
      %mul3A_256 = arith.constant 640 : i32
      %mul3A_257 = arith.muli %add3A_255, %mul3A_256 : i32
      %add3A_258 = arith.addi %mul3A_2, %mul3A_257 : i32
      %dma_start3A_259 = arith.constant 0 : i32
      %dma_start3A_260 = tpu.memref_slice %arg4[%add3A_258, %dma_start3A_259] : memref<819200x32xf32, #tpu.memory_space<hbm>> -> memref<640x32xf32, #tpu.memory_space<hbm>>
      %dma_start3A_261 = arith.constant 0 : i32
      %dma_start3A_262 = tpu.memref_slice %arg4[%add3A_258, %dma_start3A_261] : memref<819200x32xf32, #tpu.memory_space<hbm>> -> memref<640x32xf32, #tpu.memory_space<hbm>>
      tpu.enqueue_dma source(%arg7 : memref<640x32xf32, #tpu.memory_space<vmem>>) target(%dma_start3A_262 : memref<640x32xf32, #tpu.memory_space<hbm>>) target_semaphore(%arg15 : memref<!tpu.dma_semaphore, #tpu.memory_space<semaphore_mem>>)
      %dma_wait3A_263 = arith.constant 0 : i32
      %dma_wait3A_264 = arith.constant 0 : i32
      %dma_wait3A_265 = tpu.memref_slice %arg4[%dma_wait3A_263, %dma_wait3A_264] : memref<819200x32xf32, #tpu.memory_space<hbm>> -> memref<640x32xf32, #tpu.memory_space<hbm>>
      %dma_wait3A_266 = arith.constant 0 : i32
      %dma_wait3A_267 = arith.constant 0 : i32
      %dma_wait3A_268 = tpu.memref_slice %arg4[%dma_wait3A_266, %dma_wait3A_267] : memref<819200x32xf32, #tpu.memory_space<hbm>> -> memref<640x32xf32, #tpu.memory_space<hbm>>
      tpu.wait_dma2 semaphore(%arg12 : memref<!tpu.dma_semaphore, #tpu.memory_space<semaphore_mem>>) src(%dma_wait3A_268 : memref<640x32xf32, #tpu.memory_space<hbm>>) dst(%arg8 : memref<640x32xf32, #tpu.memory_space<vmem>>)
      %add3A_269 = arith.constant 2 : i32
      %add3A_270 = arith.addi %mul3A_232, %add3A_269 : i32
      %mul3A_271 = arith.constant 640 : i32
      %mul3A_272 = arith.muli %add3A_270, %mul3A_271 : i32
      %add3A_273 = arith.addi %mul3A_2, %mul3A_272 : i32
      %dma_start3A_274 = arith.constant 0 : i32
      %dma_start3A_275 = tpu.memref_slice %arg4[%add3A_273, %dma_start3A_274] : memref<819200x32xf32, #tpu.memory_space<hbm>> -> memref<640x32xf32, #tpu.memory_space<hbm>>
      %dma_start3A_276 = arith.constant 0 : i32
      %dma_start3A_277 = tpu.memref_slice %arg4[%add3A_273, %dma_start3A_276] : memref<819200x32xf32, #tpu.memory_space<hbm>> -> memref<640x32xf32, #tpu.memory_space<hbm>>
      tpu.enqueue_dma source(%arg8 : memref<640x32xf32, #tpu.memory_space<vmem>>) target(%dma_start3A_277 : memref<640x32xf32, #tpu.memory_space<hbm>>) target_semaphore(%arg16 : memref<!tpu.dma_semaphore, #tpu.memory_space<semaphore_mem>>)
      %dma_wait3A_278 = arith.constant 0 : i32
      %dma_wait3A_279 = arith.constant 0 : i32
      %dma_wait3A_280 = tpu.memref_slice %arg4[%dma_wait3A_278, %dma_wait3A_279] : memref<819200x32xf32, #tpu.memory_space<hbm>> -> memref<640x32xf32, #tpu.memory_space<hbm>>
      %dma_wait3A_281 = arith.constant 0 : i32
      %dma_wait3A_282 = arith.constant 0 : i32
      %dma_wait3A_283 = tpu.memref_slice %arg4[%dma_wait3A_281, %dma_wait3A_282] : memref<819200x32xf32, #tpu.memory_space<hbm>> -> memref<640x32xf32, #tpu.memory_space<hbm>>
      tpu.wait_dma2 semaphore(%arg13 : memref<!tpu.dma_semaphore, #tpu.memory_space<semaphore_mem>>) src(%dma_wait3A_283 : memref<640x32xf32, #tpu.memory_space<hbm>>) dst(%arg9 : memref<640x32xf32, #tpu.memory_space<vmem>>)
      %add3A_284 = arith.constant 3 : i32
      %add3A_285 = arith.addi %mul3A_232, %add3A_284 : i32
      %mul3A_286 = arith.constant 640 : i32
      %mul3A_287 = arith.muli %add3A_285, %mul3A_286 : i32
      %add3A_288 = arith.addi %mul3A_2, %mul3A_287 : i32
      %dma_start3A_289 = arith.constant 0 : i32
      %dma_start3A_290 = tpu.memref_slice %arg4[%add3A_288, %dma_start3A_289] : memref<819200x32xf32, #tpu.memory_space<hbm>> -> memref<640x32xf32, #tpu.memory_space<hbm>>
      %dma_start3A_291 = arith.constant 0 : i32
      %dma_start3A_292 = tpu.memref_slice %arg4[%add3A_288, %dma_start3A_291] : memref<819200x32xf32, #tpu.memory_space<hbm>> -> memref<640x32xf32, #tpu.memory_space<hbm>>
      tpu.enqueue_dma source(%arg9 : memref<640x32xf32, #tpu.memory_space<vmem>>) target(%dma_start3A_292 : memref<640x32xf32, #tpu.memory_space<hbm>>) target_semaphore(%arg17 : memref<!tpu.dma_semaphore, #tpu.memory_space<semaphore_mem>>)
      %add3A_293 = arith.constant 1 : i32
      %add3A_294 = arith.addi %scan3A_230, %add3A_293 : i32
      %lt3A = arith.constant 10 : i32
      %lt3A_295 = arith.cmpi slt, %add3A_294, %lt3A : i32
      %convert_element_type3A = arith.extui %lt3A_295 : i1 to i32
      %cond3A = arith.constant 0 : i32
      %cond3A_296 = arith.cmpi ne, %convert_element_type3A, %cond3A : i32
      scf.if %cond3A_296 {
        %dma_wait3A_297 = arith.constant 0 : i32
        %dma_wait3A_298 = arith.constant 0 : i32
        %dma_wait3A_299 = tpu.memref_slice %arg4[%dma_wait3A_297, %dma_wait3A_298] : memref<819200x32xf32, #tpu.memory_space<hbm>> -> memref<640x32xf32, #tpu.memory_space<hbm>>
        %dma_wait3A_300 = arith.constant 0 : i32
        %dma_wait3A_301 = arith.constant 0 : i32
        %dma_wait3A_302 = tpu.memref_slice %arg4[%dma_wait3A_300, %dma_wait3A_301] : memref<819200x32xf32, #tpu.memory_space<hbm>> -> memref<640x32xf32, #tpu.memory_space<hbm>>
        tpu.wait_dma2 semaphore(%arg14 : memref<!tpu.dma_semaphore, #tpu.memory_space<semaphore_mem>>) src(%arg6 : memref<640x32xf32, #tpu.memory_space<vmem>>) dst(%dma_wait3A_302 : memref<640x32xf32, #tpu.memory_space<hbm>>)
        %add3A_303 = arith.constant 4 : i32
        %add3A_304 = arith.addi %mul3A_232, %add3A_303 : i32
        %add3A_305 = arith.constant 0 : i32
        %add3A_306 = arith.addi %add3A_304, %add3A_305 : i32
        %mul3A_307 = arith.constant 5 : i32
        %mul3A_308 = arith.muli %add3A_306, %mul3A_307 : i32
        %add3A_309 = arith.constant 0 : i32
        %add3A_310 = arith.addi %mul3A_308, %add3A_309 : i32
        %dma_start3A_311 = arith.constant 0 : i32
        %dma_start3A_312 = arith.constant 0 : i32
        %dma_start3A_313 = tpu.memref_slice %arg6[%dma_start3A_311, %dma_start3A_312] : memref<640x32xf32, #tpu.memory_space<vmem>> -> memref<128x32xf32, #tpu.memory_space<vmem>>
        %dma_start3A_314 = arith.constant 0 : i32
        %dma_start3A_315 = tpu.memref_slice %arg5[%add3A_310, %dma_start3A_314] : memref<200x128xi32, #tpu.memory_space<vmem>> -> memref<1x128xi32, #tpu.memory_space<vmem>>
        %dma_start3A_316 = tpu.memref_squeeze %dma_start3A_315 : memref<1x128xi32, #tpu.memory_space<vmem>> -> memref<128xi32, #tpu.memory_space<vmem>>
        %dma_start3A_317 = arith.constant 0 : i32
        %dma_start3A_318 = arith.constant 0 : i32
        %dma_start3A_319 = tpu.memref_slice %arg3[%dma_start3A_317, %dma_start3A_318] : memref<100000x32xf32, #tpu.memory_space<hbm>> -> memref<100000x32xf32, #tpu.memory_space<hbm>>
        tpu.enqueue_indirect_dma source(%dma_start3A_319 : memref<100000x32xf32, #tpu.memory_space<hbm>>) target(%dma_start3A_313 : memref<128x32xf32, #tpu.memory_space<vmem>>) offsets(%dma_start3A_316 : memref<128xi32, #tpu.memory_space<vmem>>) semaphore(%arg10 : memref<!tpu.dma_semaphore, #tpu.memory_space<semaphore_mem>>)
        %mul3A_320 = arith.constant 5 : i32
        %mul3A_321 = arith.muli %add3A_306, %mul3A_320 : i32
        %add3A_322 = arith.constant 1 : i32
        %add3A_323 = arith.addi %mul3A_321, %add3A_322 : i32
        %dma_start3A_324 = arith.constant 128 : i32
        %dma_start3A_325 = arith.constant 0 : i32
        %dma_start3A_326 = tpu.memref_slice %arg6[%dma_start3A_324, %dma_start3A_325] : memref<640x32xf32, #tpu.memory_space<vmem>> -> memref<128x32xf32, #tpu.memory_space<vmem>>
        %dma_start3A_327 = arith.constant 0 : i32
        %dma_start3A_328 = tpu.memref_slice %arg5[%add3A_323, %dma_start3A_327] : memref<200x128xi32, #tpu.memory_space<vmem>> -> memref<1x128xi32, #tpu.memory_space<vmem>>
        %dma_start3A_329 = tpu.memref_squeeze %dma_start3A_328 : memref<1x128xi32, #tpu.memory_space<vmem>> -> memref<128xi32, #tpu.memory_space<vmem>>
        %dma_start3A_330 = arith.constant 0 : i32
        %dma_start3A_331 = arith.constant 0 : i32
        %dma_start3A_332 = tpu.memref_slice %arg3[%dma_start3A_330, %dma_start3A_331] : memref<100000x32xf32, #tpu.memory_space<hbm>> -> memref<100000x32xf32, #tpu.memory_space<hbm>>
        tpu.enqueue_indirect_dma source(%dma_start3A_332 : memref<100000x32xf32, #tpu.memory_space<hbm>>) target(%dma_start3A_326 : memref<128x32xf32, #tpu.memory_space<vmem>>) offsets(%dma_start3A_329 : memref<128xi32, #tpu.memory_space<vmem>>) semaphore(%arg10 : memref<!tpu.dma_semaphore, #tpu.memory_space<semaphore_mem>>)
        %mul3A_333 = arith.constant 5 : i32
        %mul3A_334 = arith.muli %add3A_306, %mul3A_333 : i32
        %add3A_335 = arith.constant 2 : i32
        %add3A_336 = arith.addi %mul3A_334, %add3A_335 : i32
        %dma_start3A_337 = arith.constant 256 : i32
        %dma_start3A_338 = arith.constant 0 : i32
        %dma_start3A_339 = tpu.memref_slice %arg6[%dma_start3A_337, %dma_start3A_338] : memref<640x32xf32, #tpu.memory_space<vmem>> -> memref<128x32xf32, #tpu.memory_space<vmem>>
        %dma_start3A_340 = arith.constant 0 : i32
        %dma_start3A_341 = tpu.memref_slice %arg5[%add3A_336, %dma_start3A_340] : memref<200x128xi32, #tpu.memory_space<vmem>> -> memref<1x128xi32, #tpu.memory_space<vmem>>
        %dma_start3A_342 = tpu.memref_squeeze %dma_start3A_341 : memref<1x128xi32, #tpu.memory_space<vmem>> -> memref<128xi32, #tpu.memory_space<vmem>>
        %dma_start3A_343 = arith.constant 0 : i32
        %dma_start3A_344 = arith.constant 0 : i32
        %dma_start3A_345 = tpu.memref_slice %arg3[%dma_start3A_343, %dma_start3A_344] : memref<100000x32xf32, #tpu.memory_space<hbm>> -> memref<100000x32xf32, #tpu.memory_space<hbm>>
        tpu.enqueue_indirect_dma source(%dma_start3A_345 : memref<100000x32xf32, #tpu.memory_space<hbm>>) target(%dma_start3A_339 : memref<128x32xf32, #tpu.memory_space<vmem>>) offsets(%dma_start3A_342 : memref<128xi32, #tpu.memory_space<vmem>>) semaphore(%arg10 : memref<!tpu.dma_semaphore, #tpu.memory_space<semaphore_mem>>)
        %mul3A_346 = arith.constant 5 : i32
        %mul3A_347 = arith.muli %add3A_306, %mul3A_346 : i32
        %add3A_348 = arith.constant 3 : i32
        %add3A_349 = arith.addi %mul3A_347, %add3A_348 : i32
        %dma_start3A_350 = arith.constant 384 : i32
        %dma_start3A_351 = arith.constant 0 : i32
        %dma_start3A_352 = tpu.memref_slice %arg6[%dma_start3A_350, %dma_start3A_351] : memref<640x32xf32, #tpu.memory_space<vmem>> -> memref<128x32xf32, #tpu.memory_space<vmem>>
        %dma_start3A_353 = arith.constant 0 : i32
        %dma_start3A_354 = tpu.memref_slice %arg5[%add3A_349, %dma_start3A_353] : memref<200x128xi32, #tpu.memory_space<vmem>> -> memref<1x128xi32, #tpu.memory_space<vmem>>
        %dma_start3A_355 = tpu.memref_squeeze %dma_start3A_354 : memref<1x128xi32, #tpu.memory_space<vmem>> -> memref<128xi32, #tpu.memory_space<vmem>>
        %dma_start3A_356 = arith.constant 0 : i32
        %dma_start3A_357 = arith.constant 0 : i32
        %dma_start3A_358 = tpu.memref_slice %arg3[%dma_start3A_356, %dma_start3A_357] : memref<100000x32xf32, #tpu.memory_space<hbm>> -> memref<100000x32xf32, #tpu.memory_space<hbm>>
        tpu.enqueue_indirect_dma source(%dma_start3A_358 : memref<100000x32xf32, #tpu.memory_space<hbm>>) target(%dma_start3A_352 : memref<128x32xf32, #tpu.memory_space<vmem>>) offsets(%dma_start3A_355 : memref<128xi32, #tpu.memory_space<vmem>>) semaphore(%arg10 : memref<!tpu.dma_semaphore, #tpu.memory_space<semaphore_mem>>)
        %mul3A_359 = arith.constant 5 : i32
        %mul3A_360 = arith.muli %add3A_306, %mul3A_359 : i32
        %add3A_361 = arith.constant 4 : i32
        %add3A_362 = arith.addi %mul3A_360, %add3A_361 : i32
        %dma_start3A_363 = arith.constant 512 : i32
        %dma_start3A_364 = arith.constant 0 : i32
        %dma_start3A_365 = tpu.memref_slice %arg6[%dma_start3A_363, %dma_start3A_364] : memref<640x32xf32, #tpu.memory_space<vmem>> -> memref<128x32xf32, #tpu.memory_space<vmem>>
        %dma_start3A_366 = arith.constant 0 : i32
        %dma_start3A_367 = tpu.memref_slice %arg5[%add3A_362, %dma_start3A_366] : memref<200x128xi32, #tpu.memory_space<vmem>> -> memref<1x128xi32, #tpu.memory_space<vmem>>
        %dma_start3A_368 = tpu.memref_squeeze %dma_start3A_367 : memref<1x128xi32, #tpu.memory_space<vmem>> -> memref<128xi32, #tpu.memory_space<vmem>>
        %dma_start3A_369 = arith.constant 0 : i32
        %dma_start3A_370 = arith.constant 0 : i32
        %dma_start3A_371 = tpu.memref_slice %arg3[%dma_start3A_369, %dma_start3A_370] : memref<100000x32xf32, #tpu.memory_space<hbm>> -> memref<100000x32xf32, #tpu.memory_space<hbm>>
        tpu.enqueue_indirect_dma source(%dma_start3A_371 : memref<100000x32xf32, #tpu.memory_space<hbm>>) target(%dma_start3A_365 : memref<128x32xf32, #tpu.memory_space<vmem>>) offsets(%dma_start3A_368 : memref<128xi32, #tpu.memory_space<vmem>>) semaphore(%arg10 : memref<!tpu.dma_semaphore, #tpu.memory_space<semaphore_mem>>)
        %dma_wait3A_372 = arith.constant 0 : i32
        %dma_wait3A_373 = arith.constant 0 : i32
        %dma_wait3A_374 = tpu.memref_slice %arg4[%dma_wait3A_372, %dma_wait3A_373] : memref<819200x32xf32, #tpu.memory_space<hbm>> -> memref<640x32xf32, #tpu.memory_space<hbm>>
        %dma_wait3A_375 = arith.constant 0 : i32
        %dma_wait3A_376 = arith.constant 0 : i32
        %dma_wait3A_377 = tpu.memref_slice %arg4[%dma_wait3A_375, %dma_wait3A_376] : memref<819200x32xf32, #tpu.memory_space<hbm>> -> memref<640x32xf32, #tpu.memory_space<hbm>>
        tpu.wait_dma2 semaphore(%arg15 : memref<!tpu.dma_semaphore, #tpu.memory_space<semaphore_mem>>) src(%arg7 : memref<640x32xf32, #tpu.memory_space<vmem>>) dst(%dma_wait3A_377 : memref<640x32xf32, #tpu.memory_space<hbm>>)
        %add3A_378 = arith.constant 4 : i32
        %add3A_379 = arith.addi %mul3A_232, %add3A_378 : i32
        %add3A_380 = arith.constant 1 : i32
        %add3A_381 = arith.addi %add3A_379, %add3A_380 : i32
        %mul3A_382 = arith.constant 5 : i32
        %mul3A_383 = arith.muli %add3A_381, %mul3A_382 : i32
        %add3A_384 = arith.constant 0 : i32
        %add3A_385 = arith.addi %mul3A_383, %add3A_384 : i32
        %dma_start3A_386 = arith.constant 0 : i32
        %dma_start3A_387 = arith.constant 0 : i32
        %dma_start3A_388 = tpu.memref_slice %arg7[%dma_start3A_386, %dma_start3A_387] : memref<640x32xf32, #tpu.memory_space<vmem>> -> memref<128x32xf32, #tpu.memory_space<vmem>>
        %dma_start3A_389 = arith.constant 0 : i32
        %dma_start3A_390 = tpu.memref_slice %arg5[%add3A_385, %dma_start3A_389] : memref<200x128xi32, #tpu.memory_space<vmem>> -> memref<1x128xi32, #tpu.memory_space<vmem>>
        %dma_start3A_391 = tpu.memref_squeeze %dma_start3A_390 : memref<1x128xi32, #tpu.memory_space<vmem>> -> memref<128xi32, #tpu.memory_space<vmem>>
        %dma_start3A_392 = arith.constant 0 : i32
        %dma_start3A_393 = arith.constant 0 : i32
        %dma_start3A_394 = tpu.memref_slice %arg3[%dma_start3A_392, %dma_start3A_393] : memref<100000x32xf32, #tpu.memory_space<hbm>> -> memref<100000x32xf32, #tpu.memory_space<hbm>>
        tpu.enqueue_indirect_dma source(%dma_start3A_394 : memref<100000x32xf32, #tpu.memory_space<hbm>>) target(%dma_start3A_388 : memref<128x32xf32, #tpu.memory_space<vmem>>) offsets(%dma_start3A_391 : memref<128xi32, #tpu.memory_space<vmem>>) semaphore(%arg11 : memref<!tpu.dma_semaphore, #tpu.memory_space<semaphore_mem>>)
        %mul3A_395 = arith.constant 5 : i32
        %mul3A_396 = arith.muli %add3A_381, %mul3A_395 : i32
        %add3A_397 = arith.constant 1 : i32
        %add3A_398 = arith.addi %mul3A_396, %add3A_397 : i32
        %dma_start3A_399 = arith.constant 128 : i32
        %dma_start3A_400 = arith.constant 0 : i32
        %dma_start3A_401 = tpu.memref_slice %arg7[%dma_start3A_399, %dma_start3A_400] : memref<640x32xf32, #tpu.memory_space<vmem>> -> memref<128x32xf32, #tpu.memory_space<vmem>>
        %dma_start3A_402 = arith.constant 0 : i32
        %dma_start3A_403 = tpu.memref_slice %arg5[%add3A_398, %dma_start3A_402] : memref<200x128xi32, #tpu.memory_space<vmem>> -> memref<1x128xi32, #tpu.memory_space<vmem>>
        %dma_start3A_404 = tpu.memref_squeeze %dma_start3A_403 : memref<1x128xi32, #tpu.memory_space<vmem>> -> memref<128xi32, #tpu.memory_space<vmem>>
        %dma_start3A_405 = arith.constant 0 : i32
        %dma_start3A_406 = arith.constant 0 : i32
        %dma_start3A_407 = tpu.memref_slice %arg3[%dma_start3A_405, %dma_start3A_406] : memref<100000x32xf32, #tpu.memory_space<hbm>> -> memref<100000x32xf32, #tpu.memory_space<hbm>>
        tpu.enqueue_indirect_dma source(%dma_start3A_407 : memref<100000x32xf32, #tpu.memory_space<hbm>>) target(%dma_start3A_401 : memref<128x32xf32, #tpu.memory_space<vmem>>) offsets(%dma_start3A_404 : memref<128xi32, #tpu.memory_space<vmem>>) semaphore(%arg11 : memref<!tpu.dma_semaphore, #tpu.memory_space<semaphore_mem>>)
        %mul3A_408 = arith.constant 5 : i32
        %mul3A_409 = arith.muli %add3A_381, %mul3A_408 : i32
        %add3A_410 = arith.constant 2 : i32
        %add3A_411 = arith.addi %mul3A_409, %add3A_410 : i32
        %dma_start3A_412 = arith.constant 256 : i32
        %dma_start3A_413 = arith.constant 0 : i32
        %dma_start3A_414 = tpu.memref_slice %arg7[%dma_start3A_412, %dma_start3A_413] : memref<640x32xf32, #tpu.memory_space<vmem>> -> memref<128x32xf32, #tpu.memory_space<vmem>>
        %dma_start3A_415 = arith.constant 0 : i32
        %dma_start3A_416 = tpu.memref_slice %arg5[%add3A_411, %dma_start3A_415] : memref<200x128xi32, #tpu.memory_space<vmem>> -> memref<1x128xi32, #tpu.memory_space<vmem>>
        %dma_start3A_417 = tpu.memref_squeeze %dma_start3A_416 : memref<1x128xi32, #tpu.memory_space<vmem>> -> memref<128xi32, #tpu.memory_space<vmem>>
        %dma_start3A_418 = arith.constant 0 : i32
        %dma_start3A_419 = arith.constant 0 : i32
        %dma_start3A_420 = tpu.memref_slice %arg3[%dma_start3A_418, %dma_start3A_419] : memref<100000x32xf32, #tpu.memory_space<hbm>> -> memref<100000x32xf32, #tpu.memory_space<hbm>>
        tpu.enqueue_indirect_dma source(%dma_start3A_420 : memref<100000x32xf32, #tpu.memory_space<hbm>>) target(%dma_start3A_414 : memref<128x32xf32, #tpu.memory_space<vmem>>) offsets(%dma_start3A_417 : memref<128xi32, #tpu.memory_space<vmem>>) semaphore(%arg11 : memref<!tpu.dma_semaphore, #tpu.memory_space<semaphore_mem>>)
        %mul3A_421 = arith.constant 5 : i32
        %mul3A_422 = arith.muli %add3A_381, %mul3A_421 : i32
        %add3A_423 = arith.constant 3 : i32
        %add3A_424 = arith.addi %mul3A_422, %add3A_423 : i32
        %dma_start3A_425 = arith.constant 384 : i32
        %dma_start3A_426 = arith.constant 0 : i32
        %dma_start3A_427 = tpu.memref_slice %arg7[%dma_start3A_425, %dma_start3A_426] : memref<640x32xf32, #tpu.memory_space<vmem>> -> memref<128x32xf32, #tpu.memory_space<vmem>>
        %dma_start3A_428 = arith.constant 0 : i32
        %dma_start3A_429 = tpu.memref_slice %arg5[%add3A_424, %dma_start3A_428] : memref<200x128xi32, #tpu.memory_space<vmem>> -> memref<1x128xi32, #tpu.memory_space<vmem>>
        %dma_start3A_430 = tpu.memref_squeeze %dma_start3A_429 : memref<1x128xi32, #tpu.memory_space<vmem>> -> memref<128xi32, #tpu.memory_space<vmem>>
        %dma_start3A_431 = arith.constant 0 : i32
        %dma_start3A_432 = arith.constant 0 : i32
        %dma_start3A_433 = tpu.memref_slice %arg3[%dma_start3A_431, %dma_start3A_432] : memref<100000x32xf32, #tpu.memory_space<hbm>> -> memref<100000x32xf32, #tpu.memory_space<hbm>>
        tpu.enqueue_indirect_dma source(%dma_start3A_433 : memref<100000x32xf32, #tpu.memory_space<hbm>>) target(%dma_start3A_427 : memref<128x32xf32, #tpu.memory_space<vmem>>) offsets(%dma_start3A_430 : memref<128xi32, #tpu.memory_space<vmem>>) semaphore(%arg11 : memref<!tpu.dma_semaphore, #tpu.memory_space<semaphore_mem>>)
        %mul3A_434 = arith.constant 5 : i32
        %mul3A_435 = arith.muli %add3A_381, %mul3A_434 : i32
        %add3A_436 = arith.constant 4 : i32
        %add3A_437 = arith.addi %mul3A_435, %add3A_436 : i32
        %dma_start3A_438 = arith.constant 512 : i32
        %dma_start3A_439 = arith.constant 0 : i32
        %dma_start3A_440 = tpu.memref_slice %arg7[%dma_start3A_438, %dma_start3A_439] : memref<640x32xf32, #tpu.memory_space<vmem>> -> memref<128x32xf32, #tpu.memory_space<vmem>>
        %dma_start3A_441 = arith.constant 0 : i32
        %dma_start3A_442 = tpu.memref_slice %arg5[%add3A_437, %dma_start3A_441] : memref<200x128xi32, #tpu.memory_space<vmem>> -> memref<1x128xi32, #tpu.memory_space<vmem>>
        %dma_start3A_443 = tpu.memref_squeeze %dma_start3A_442 : memref<1x128xi32, #tpu.memory_space<vmem>> -> memref<128xi32, #tpu.memory_space<vmem>>
        %dma_start3A_444 = arith.constant 0 : i32
        %dma_start3A_445 = arith.constant 0 : i32
        %dma_start3A_446 = tpu.memref_slice %arg3[%dma_start3A_444, %dma_start3A_445] : memref<100000x32xf32, #tpu.memory_space<hbm>> -> memref<100000x32xf32, #tpu.memory_space<hbm>>
        tpu.enqueue_indirect_dma source(%dma_start3A_446 : memref<100000x32xf32, #tpu.memory_space<hbm>>) target(%dma_start3A_440 : memref<128x32xf32, #tpu.memory_space<vmem>>) offsets(%dma_start3A_443 : memref<128xi32, #tpu.memory_space<vmem>>) semaphore(%arg11 : memref<!tpu.dma_semaphore, #tpu.memory_space<semaphore_mem>>)
        %dma_wait3A_447 = arith.constant 0 : i32
        %dma_wait3A_448 = arith.constant 0 : i32
        %dma_wait3A_449 = tpu.memref_slice %arg4[%dma_wait3A_447, %dma_wait3A_448] : memref<819200x32xf32, #tpu.memory_space<hbm>> -> memref<640x32xf32, #tpu.memory_space<hbm>>
        %dma_wait3A_450 = arith.constant 0 : i32
        %dma_wait3A_451 = arith.constant 0 : i32
        %dma_wait3A_452 = tpu.memref_slice %arg4[%dma_wait3A_450, %dma_wait3A_451] : memref<819200x32xf32, #tpu.memory_space<hbm>> -> memref<640x32xf32, #tpu.memory_space<hbm>>
        tpu.wait_dma2 semaphore(%arg16 : memref<!tpu.dma_semaphore, #tpu.memory_space<semaphore_mem>>) src(%arg8 : memref<640x32xf32, #tpu.memory_space<vmem>>) dst(%dma_wait3A_452 : memref<640x32xf32, #tpu.memory_space<hbm>>)
        %add3A_453 = arith.constant 4 : i32
        %add3A_454 = arith.addi %mul3A_232, %add3A_453 : i32
        %add3A_455 = arith.constant 2 : i32
        %add3A_456 = arith.addi %add3A_454, %add3A_455 : i32
        %mul3A_457 = arith.constant 5 : i32
        %mul3A_458 = arith.muli %add3A_456, %mul3A_457 : i32
        %add3A_459 = arith.constant 0 : i32
        %add3A_460 = arith.addi %mul3A_458, %add3A_459 : i32
        %dma_start3A_461 = arith.constant 0 : i32
        %dma_start3A_462 = arith.constant 0 : i32
        %dma_start3A_463 = tpu.memref_slice %arg8[%dma_start3A_461, %dma_start3A_462] : memref<640x32xf32, #tpu.memory_space<vmem>> -> memref<128x32xf32, #tpu.memory_space<vmem>>
        %dma_start3A_464 = arith.constant 0 : i32
        %dma_start3A_465 = tpu.memref_slice %arg5[%add3A_460, %dma_start3A_464] : memref<200x128xi32, #tpu.memory_space<vmem>> -> memref<1x128xi32, #tpu.memory_space<vmem>>
        %dma_start3A_466 = tpu.memref_squeeze %dma_start3A_465 : memref<1x128xi32, #tpu.memory_space<vmem>> -> memref<128xi32, #tpu.memory_space<vmem>>
        %dma_start3A_467 = arith.constant 0 : i32
        %dma_start3A_468 = arith.constant 0 : i32
        %dma_start3A_469 = tpu.memref_slice %arg3[%dma_start3A_467, %dma_start3A_468] : memref<100000x32xf32, #tpu.memory_space<hbm>> -> memref<100000x32xf32, #tpu.memory_space<hbm>>
        tpu.enqueue_indirect_dma source(%dma_start3A_469 : memref<100000x32xf32, #tpu.memory_space<hbm>>) target(%dma_start3A_463 : memref<128x32xf32, #tpu.memory_space<vmem>>) offsets(%dma_start3A_466 : memref<128xi32, #tpu.memory_space<vmem>>) semaphore(%arg12 : memref<!tpu.dma_semaphore, #tpu.memory_space<semaphore_mem>>)
        %mul3A_470 = arith.constant 5 : i32
        %mul3A_471 = arith.muli %add3A_456, %mul3A_470 : i32
        %add3A_472 = arith.constant 1 : i32
        %add3A_473 = arith.addi %mul3A_471, %add3A_472 : i32
        %dma_start3A_474 = arith.constant 128 : i32
        %dma_start3A_475 = arith.constant 0 : i32
        %dma_start3A_476 = tpu.memref_slice %arg8[%dma_start3A_474, %dma_start3A_475] : memref<640x32xf32, #tpu.memory_space<vmem>> -> memref<128x32xf32, #tpu.memory_space<vmem>>
        %dma_start3A_477 = arith.constant 0 : i32
        %dma_start3A_478 = tpu.memref_slice %arg5[%add3A_473, %dma_start3A_477] : memref<200x128xi32, #tpu.memory_space<vmem>> -> memref<1x128xi32, #tpu.memory_space<vmem>>
        %dma_start3A_479 = tpu.memref_squeeze %dma_start3A_478 : memref<1x128xi32, #tpu.memory_space<vmem>> -> memref<128xi32, #tpu.memory_space<vmem>>
        %dma_start3A_480 = arith.constant 0 : i32
        %dma_start3A_481 = arith.constant 0 : i32
        %dma_start3A_482 = tpu.memref_slice %arg3[%dma_start3A_480, %dma_start3A_481] : memref<100000x32xf32, #tpu.memory_space<hbm>> -> memref<100000x32xf32, #tpu.memory_space<hbm>>
        tpu.enqueue_indirect_dma source(%dma_start3A_482 : memref<100000x32xf32, #tpu.memory_space<hbm>>) target(%dma_start3A_476 : memref<128x32xf32, #tpu.memory_space<vmem>>) offsets(%dma_start3A_479 : memref<128xi32, #tpu.memory_space<vmem>>) semaphore(%arg12 : memref<!tpu.dma_semaphore, #tpu.memory_space<semaphore_mem>>)
        %mul3A_483 = arith.constant 5 : i32
        %mul3A_484 = arith.muli %add3A_456, %mul3A_483 : i32
        %add3A_485 = arith.constant 2 : i32
        %add3A_486 = arith.addi %mul3A_484, %add3A_485 : i32
        %dma_start3A_487 = arith.constant 256 : i32
        %dma_start3A_488 = arith.constant 0 : i32
        %dma_start3A_489 = tpu.memref_slice %arg8[%dma_start3A_487, %dma_start3A_488] : memref<640x32xf32, #tpu.memory_space<vmem>> -> memref<128x32xf32, #tpu.memory_space<vmem>>
        %dma_start3A_490 = arith.constant 0 : i32
        %dma_start3A_491 = tpu.memref_slice %arg5[%add3A_486, %dma_start3A_490] : memref<200x128xi32, #tpu.memory_space<vmem>> -> memref<1x128xi32, #tpu.memory_space<vmem>>
        %dma_start3A_492 = tpu.memref_squeeze %dma_start3A_491 : memref<1x128xi32, #tpu.memory_space<vmem>> -> memref<128xi32, #tpu.memory_space<vmem>>
        %dma_start3A_493 = arith.constant 0 : i32
        %dma_start3A_494 = arith.constant 0 : i32
        %dma_start3A_495 = tpu.memref_slice %arg3[%dma_start3A_493, %dma_start3A_494] : memref<100000x32xf32, #tpu.memory_space<hbm>> -> memref<100000x32xf32, #tpu.memory_space<hbm>>
        tpu.enqueue_indirect_dma source(%dma_start3A_495 : memref<100000x32xf32, #tpu.memory_space<hbm>>) target(%dma_start3A_489 : memref<128x32xf32, #tpu.memory_space<vmem>>) offsets(%dma_start3A_492 : memref<128xi32, #tpu.memory_space<vmem>>) semaphore(%arg12 : memref<!tpu.dma_semaphore, #tpu.memory_space<semaphore_mem>>)
        %mul3A_496 = arith.constant 5 : i32
        %mul3A_497 = arith.muli %add3A_456, %mul3A_496 : i32
        %add3A_498 = arith.constant 3 : i32
        %add3A_499 = arith.addi %mul3A_497, %add3A_498 : i32
        %dma_start3A_500 = arith.constant 384 : i32
        %dma_start3A_501 = arith.constant 0 : i32
        %dma_start3A_502 = tpu.memref_slice %arg8[%dma_start3A_500, %dma_start3A_501] : memref<640x32xf32, #tpu.memory_space<vmem>> -> memref<128x32xf32, #tpu.memory_space<vmem>>
        %dma_start3A_503 = arith.constant 0 : i32
        %dma_start3A_504 = tpu.memref_slice %arg5[%add3A_499, %dma_start3A_503] : memref<200x128xi32, #tpu.memory_space<vmem>> -> memref<1x128xi32, #tpu.memory_space<vmem>>
        %dma_start3A_505 = tpu.memref_squeeze %dma_start3A_504 : memref<1x128xi32, #tpu.memory_space<vmem>> -> memref<128xi32, #tpu.memory_space<vmem>>
        %dma_start3A_506 = arith.constant 0 : i32
        %dma_start3A_507 = arith.constant 0 : i32
        %dma_start3A_508 = tpu.memref_slice %arg3[%dma_start3A_506, %dma_start3A_507] : memref<100000x32xf32, #tpu.memory_space<hbm>> -> memref<100000x32xf32, #tpu.memory_space<hbm>>
        tpu.enqueue_indirect_dma source(%dma_start3A_508 : memref<100000x32xf32, #tpu.memory_space<hbm>>) target(%dma_start3A_502 : memref<128x32xf32, #tpu.memory_space<vmem>>) offsets(%dma_start3A_505 : memref<128xi32, #tpu.memory_space<vmem>>) semaphore(%arg12 : memref<!tpu.dma_semaphore, #tpu.memory_space<semaphore_mem>>)
        %mul3A_509 = arith.constant 5 : i32
        %mul3A_510 = arith.muli %add3A_456, %mul3A_509 : i32
        %add3A_511 = arith.constant 4 : i32
        %add3A_512 = arith.addi %mul3A_510, %add3A_511 : i32
        %dma_start3A_513 = arith.constant 512 : i32
        %dma_start3A_514 = arith.constant 0 : i32
        %dma_start3A_515 = tpu.memref_slice %arg8[%dma_start3A_513, %dma_start3A_514] : memref<640x32xf32, #tpu.memory_space<vmem>> -> memref<128x32xf32, #tpu.memory_space<vmem>>
        %dma_start3A_516 = arith.constant 0 : i32
        %dma_start3A_517 = tpu.memref_slice %arg5[%add3A_512, %dma_start3A_516] : memref<200x128xi32, #tpu.memory_space<vmem>> -> memref<1x128xi32, #tpu.memory_space<vmem>>
        %dma_start3A_518 = tpu.memref_squeeze %dma_start3A_517 : memref<1x128xi32, #tpu.memory_space<vmem>> -> memref<128xi32, #tpu.memory_space<vmem>>
        %dma_start3A_519 = arith.constant 0 : i32
        %dma_start3A_520 = arith.constant 0 : i32
        %dma_start3A_521 = tpu.memref_slice %arg3[%dma_start3A_519, %dma_start3A_520] : memref<100000x32xf32, #tpu.memory_space<hbm>> -> memref<100000x32xf32, #tpu.memory_space<hbm>>
        tpu.enqueue_indirect_dma source(%dma_start3A_521 : memref<100000x32xf32, #tpu.memory_space<hbm>>) target(%dma_start3A_515 : memref<128x32xf32, #tpu.memory_space<vmem>>) offsets(%dma_start3A_518 : memref<128xi32, #tpu.memory_space<vmem>>) semaphore(%arg12 : memref<!tpu.dma_semaphore, #tpu.memory_space<semaphore_mem>>)
        %dma_wait3A_522 = arith.constant 0 : i32
        %dma_wait3A_523 = arith.constant 0 : i32
        %dma_wait3A_524 = tpu.memref_slice %arg4[%dma_wait3A_522, %dma_wait3A_523] : memref<819200x32xf32, #tpu.memory_space<hbm>> -> memref<640x32xf32, #tpu.memory_space<hbm>>
        %dma_wait3A_525 = arith.constant 0 : i32
        %dma_wait3A_526 = arith.constant 0 : i32
        %dma_wait3A_527 = tpu.memref_slice %arg4[%dma_wait3A_525, %dma_wait3A_526] : memref<819200x32xf32, #tpu.memory_space<hbm>> -> memref<640x32xf32, #tpu.memory_space<hbm>>
        tpu.wait_dma2 semaphore(%arg17 : memref<!tpu.dma_semaphore, #tpu.memory_space<semaphore_mem>>) src(%arg9 : memref<640x32xf32, #tpu.memory_space<vmem>>) dst(%dma_wait3A_527 : memref<640x32xf32, #tpu.memory_space<hbm>>)
        %add3A_528 = arith.constant 4 : i32
        %add3A_529 = arith.addi %mul3A_232, %add3A_528 : i32
        %add3A_530 = arith.constant 3 : i32
        %add3A_531 = arith.addi %add3A_529, %add3A_530 : i32
        %mul3A_532 = arith.constant 5 : i32
        %mul3A_533 = arith.muli %add3A_531, %mul3A_532 : i32
        %add3A_534 = arith.constant 0 : i32
        %add3A_535 = arith.addi %mul3A_533, %add3A_534 : i32
        %dma_start3A_536 = arith.constant 0 : i32
        %dma_start3A_537 = arith.constant 0 : i32
        %dma_start3A_538 = tpu.memref_slice %arg9[%dma_start3A_536, %dma_start3A_537] : memref<640x32xf32, #tpu.memory_space<vmem>> -> memref<128x32xf32, #tpu.memory_space<vmem>>
        %dma_start3A_539 = arith.constant 0 : i32
        %dma_start3A_540 = tpu.memref_slice %arg5[%add3A_535, %dma_start3A_539] : memref<200x128xi32, #tpu.memory_space<vmem>> -> memref<1x128xi32, #tpu.memory_space<vmem>>
        %dma_start3A_541 = tpu.memref_squeeze %dma_start3A_540 : memref<1x128xi32, #tpu.memory_space<vmem>> -> memref<128xi32, #tpu.memory_space<vmem>>
        %dma_start3A_542 = arith.constant 0 : i32
        %dma_start3A_543 = arith.constant 0 : i32
        %dma_start3A_544 = tpu.memref_slice %arg3[%dma_start3A_542, %dma_start3A_543] : memref<100000x32xf32, #tpu.memory_space<hbm>> -> memref<100000x32xf32, #tpu.memory_space<hbm>>
        tpu.enqueue_indirect_dma source(%dma_start3A_544 : memref<100000x32xf32, #tpu.memory_space<hbm>>) target(%dma_start3A_538 : memref<128x32xf32, #tpu.memory_space<vmem>>) offsets(%dma_start3A_541 : memref<128xi32, #tpu.memory_space<vmem>>) semaphore(%arg13 : memref<!tpu.dma_semaphore, #tpu.memory_space<semaphore_mem>>)
        %mul3A_545 = arith.constant 5 : i32
        %mul3A_546 = arith.muli %add3A_531, %mul3A_545 : i32
        %add3A_547 = arith.constant 1 : i32
        %add3A_548 = arith.addi %mul3A_546, %add3A_547 : i32
        %dma_start3A_549 = arith.constant 128 : i32
        %dma_start3A_550 = arith.constant 0 : i32
        %dma_start3A_551 = tpu.memref_slice %arg9[%dma_start3A_549, %dma_start3A_550] : memref<640x32xf32, #tpu.memory_space<vmem>> -> memref<128x32xf32, #tpu.memory_space<vmem>>
        %dma_start3A_552 = arith.constant 0 : i32
        %dma_start3A_553 = tpu.memref_slice %arg5[%add3A_548, %dma_start3A_552] : memref<200x128xi32, #tpu.memory_space<vmem>> -> memref<1x128xi32, #tpu.memory_space<vmem>>
        %dma_start3A_554 = tpu.memref_squeeze %dma_start3A_553 : memref<1x128xi32, #tpu.memory_space<vmem>> -> memref<128xi32, #tpu.memory_space<vmem>>
        %dma_start3A_555 = arith.constant 0 : i32
        %dma_start3A_556 = arith.constant 0 : i32
        %dma_start3A_557 = tpu.memref_slice %arg3[%dma_start3A_555, %dma_start3A_556] : memref<100000x32xf32, #tpu.memory_space<hbm>> -> memref<100000x32xf32, #tpu.memory_space<hbm>>
        tpu.enqueue_indirect_dma source(%dma_start3A_557 : memref<100000x32xf32, #tpu.memory_space<hbm>>) target(%dma_start3A_551 : memref<128x32xf32, #tpu.memory_space<vmem>>) offsets(%dma_start3A_554 : memref<128xi32, #tpu.memory_space<vmem>>) semaphore(%arg13 : memref<!tpu.dma_semaphore, #tpu.memory_space<semaphore_mem>>)
        %mul3A_558 = arith.constant 5 : i32
        %mul3A_559 = arith.muli %add3A_531, %mul3A_558 : i32
        %add3A_560 = arith.constant 2 : i32
        %add3A_561 = arith.addi %mul3A_559, %add3A_560 : i32
        %dma_start3A_562 = arith.constant 256 : i32
        %dma_start3A_563 = arith.constant 0 : i32
        %dma_start3A_564 = tpu.memref_slice %arg9[%dma_start3A_562, %dma_start3A_563] : memref<640x32xf32, #tpu.memory_space<vmem>> -> memref<128x32xf32, #tpu.memory_space<vmem>>
        %dma_start3A_565 = arith.constant 0 : i32
        %dma_start3A_566 = tpu.memref_slice %arg5[%add3A_561, %dma_start3A_565] : memref<200x128xi32, #tpu.memory_space<vmem>> -> memref<1x128xi32, #tpu.memory_space<vmem>>
        %dma_start3A_567 = tpu.memref_squeeze %dma_start3A_566 : memref<1x128xi32, #tpu.memory_space<vmem>> -> memref<128xi32, #tpu.memory_space<vmem>>
        %dma_start3A_568 = arith.constant 0 : i32
        %dma_start3A_569 = arith.constant 0 : i32
        %dma_start3A_570 = tpu.memref_slice %arg3[%dma_start3A_568, %dma_start3A_569] : memref<100000x32xf32, #tpu.memory_space<hbm>> -> memref<100000x32xf32, #tpu.memory_space<hbm>>
        tpu.enqueue_indirect_dma source(%dma_start3A_570 : memref<100000x32xf32, #tpu.memory_space<hbm>>) target(%dma_start3A_564 : memref<128x32xf32, #tpu.memory_space<vmem>>) offsets(%dma_start3A_567 : memref<128xi32, #tpu.memory_space<vmem>>) semaphore(%arg13 : memref<!tpu.dma_semaphore, #tpu.memory_space<semaphore_mem>>)
        %mul3A_571 = arith.constant 5 : i32
        %mul3A_572 = arith.muli %add3A_531, %mul3A_571 : i32
        %add3A_573 = arith.constant 3 : i32
        %add3A_574 = arith.addi %mul3A_572, %add3A_573 : i32
        %dma_start3A_575 = arith.constant 384 : i32
        %dma_start3A_576 = arith.constant 0 : i32
        %dma_start3A_577 = tpu.memref_slice %arg9[%dma_start3A_575, %dma_start3A_576] : memref<640x32xf32, #tpu.memory_space<vmem>> -> memref<128x32xf32, #tpu.memory_space<vmem>>
        %dma_start3A_578 = arith.constant 0 : i32
        %dma_start3A_579 = tpu.memref_slice %arg5[%add3A_574, %dma_start3A_578] : memref<200x128xi32, #tpu.memory_space<vmem>> -> memref<1x128xi32, #tpu.memory_space<vmem>>
        %dma_start3A_580 = tpu.memref_squeeze %dma_start3A_579 : memref<1x128xi32, #tpu.memory_space<vmem>> -> memref<128xi32, #tpu.memory_space<vmem>>
        %dma_start3A_581 = arith.constant 0 : i32
        %dma_start3A_582 = arith.constant 0 : i32
        %dma_start3A_583 = tpu.memref_slice %arg3[%dma_start3A_581, %dma_start3A_582] : memref<100000x32xf32, #tpu.memory_space<hbm>> -> memref<100000x32xf32, #tpu.memory_space<hbm>>
        tpu.enqueue_indirect_dma source(%dma_start3A_583 : memref<100000x32xf32, #tpu.memory_space<hbm>>) target(%dma_start3A_577 : memref<128x32xf32, #tpu.memory_space<vmem>>) offsets(%dma_start3A_580 : memref<128xi32, #tpu.memory_space<vmem>>) semaphore(%arg13 : memref<!tpu.dma_semaphore, #tpu.memory_space<semaphore_mem>>)
        %mul3A_584 = arith.constant 5 : i32
        %mul3A_585 = arith.muli %add3A_531, %mul3A_584 : i32
        %add3A_586 = arith.constant 4 : i32
        %add3A_587 = arith.addi %mul3A_585, %add3A_586 : i32
        %dma_start3A_588 = arith.constant 512 : i32
        %dma_start3A_589 = arith.constant 0 : i32
        %dma_start3A_590 = tpu.memref_slice %arg9[%dma_start3A_588, %dma_start3A_589] : memref<640x32xf32, #tpu.memory_space<vmem>> -> memref<128x32xf32, #tpu.memory_space<vmem>>
        %dma_start3A_591 = arith.constant 0 : i32
        %dma_start3A_592 = tpu.memref_slice %arg5[%add3A_587, %dma_start3A_591] : memref<200x128xi32, #tpu.memory_space<vmem>> -> memref<1x128xi32, #tpu.memory_space<vmem>>
        %dma_start3A_593 = tpu.memref_squeeze %dma_start3A_592 : memref<1x128xi32, #tpu.memory_space<vmem>> -> memref<128xi32, #tpu.memory_space<vmem>>
        %dma_start3A_594 = arith.constant 0 : i32
        %dma_start3A_595 = arith.constant 0 : i32
        %dma_start3A_596 = tpu.memref_slice %arg3[%dma_start3A_594, %dma_start3A_595] : memref<100000x32xf32, #tpu.memory_space<hbm>> -> memref<100000x32xf32, #tpu.memory_space<hbm>>
        tpu.enqueue_indirect_dma source(%dma_start3A_596 : memref<100000x32xf32, #tpu.memory_space<hbm>>) target(%dma_start3A_590 : memref<128x32xf32, #tpu.memory_space<vmem>>) offsets(%dma_start3A_593 : memref<128xi32, #tpu.memory_space<vmem>>) semaphore(%arg13 : memref<!tpu.dma_semaphore, #tpu.memory_space<semaphore_mem>>)
      } else {
      }
    }
    %scan3A_206 = arith.constant 10 : i32
    %dma_wait3A = arith.constant 0 : i32
    %dma_wait3A_207 = arith.constant 0 : i32
    %dma_wait3A_208 = tpu.memref_slice %arg4[%dma_wait3A, %dma_wait3A_207] : memref<819200x32xf32, #tpu.memory_space<hbm>> -> memref<640x32xf32, #tpu.memory_space<hbm>>
    %dma_wait3A_209 = arith.constant 0 : i32
    %dma_wait3A_210 = arith.constant 0 : i32
    %dma_wait3A_211 = tpu.memref_slice %arg4[%dma_wait3A_209, %dma_wait3A_210] : memref<819200x32xf32, #tpu.memory_space<hbm>> -> memref<640x32xf32, #tpu.memory_space<hbm>>
    tpu.wait_dma2 semaphore(%arg14 : memref<!tpu.dma_semaphore, #tpu.memory_space<semaphore_mem>>) src(%arg6 : memref<640x32xf32, #tpu.memory_space<vmem>>) dst(%dma_wait3A_211 : memref<640x32xf32, #tpu.memory_space<hbm>>)
    %dma_wait3A_212 = arith.constant 0 : i32
    %dma_wait3A_213 = arith.constant 0 : i32
    %dma_wait3A_214 = tpu.memref_slice %arg4[%dma_wait3A_212, %dma_wait3A_213] : memref<819200x32xf32, #tpu.memory_space<hbm>> -> memref<640x32xf32, #tpu.memory_space<hbm>>
    %dma_wait3A_215 = arith.constant 0 : i32
    %dma_wait3A_216 = arith.constant 0 : i32
    %dma_wait3A_217 = tpu.memref_slice %arg4[%dma_wait3A_215, %dma_wait3A_216] : memref<819200x32xf32, #tpu.memory_space<hbm>> -> memref<640x32xf32, #tpu.memory_space<hbm>>
    tpu.wait_dma2 semaphore(%arg15 : memref<!tpu.dma_semaphore, #tpu.memory_space<semaphore_mem>>) src(%arg7 : memref<640x32xf32, #tpu.memory_space<vmem>>) dst(%dma_wait3A_217 : memref<640x32xf32, #tpu.memory_space<hbm>>)
    %dma_wait3A_218 = arith.constant 0 : i32
    %dma_wait3A_219 = arith.constant 0 : i32
    %dma_wait3A_220 = tpu.memref_slice %arg4[%dma_wait3A_218, %dma_wait3A_219] : memref<819200x32xf32, #tpu.memory_space<hbm>> -> memref<640x32xf32, #tpu.memory_space<hbm>>
    %dma_wait3A_221 = arith.constant 0 : i32
    %dma_wait3A_222 = arith.constant 0 : i32
    %dma_wait3A_223 = tpu.memref_slice %arg4[%dma_wait3A_221, %dma_wait3A_222] : memref<819200x32xf32, #tpu.memory_space<hbm>> -> memref<640x32xf32, #tpu.memory_space<hbm>>
    tpu.wait_dma2 semaphore(%arg16 : memref<!tpu.dma_semaphore, #tpu.memory_space<semaphore_mem>>) src(%arg8 : memref<640x32xf32, #tpu.memory_space<vmem>>) dst(%dma_wait3A_223 : memref<640x32xf32, #tpu.memory_space<hbm>>)
    %dma_wait3A_224 = arith.constant 0 : i32
    %dma_wait3A_225 = arith.constant 0 : i32
    %dma_wait3A_226 = tpu.memref_slice %arg4[%dma_wait3A_224, %dma_wait3A_225] : memref<819200x32xf32, #tpu.memory_space<hbm>> -> memref<640x32xf32, #tpu.memory_space<hbm>>
    %dma_wait3A_227 = arith.constant 0 : i32
    %dma_wait3A_228 = arith.constant 0 : i32
    %dma_wait3A_229 = tpu.memref_slice %arg4[%dma_wait3A_227, %dma_wait3A_228] : memref<819200x32xf32, #tpu.memory_space<hbm>> -> memref<640x32xf32, #tpu.memory_space<hbm>>
    tpu.wait_dma2 semaphore(%arg17 : memref<!tpu.dma_semaphore, #tpu.memory_space<semaphore_mem>>) src(%arg9 : memref<640x32xf32, #tpu.memory_space<vmem>>) dst(%dma_wait3A_229 : memref<640x32xf32, #tpu.memory_space<hbm>>)
    return
  }
}

</mosaic_0001>

<sc_bundles>
// kernel: kernel.3.cloned.1.call-start
scs
__scs_entry_jumppad:
0x0: {  	(pc) =	sbr.rel $0x88, $3  }
0x1: {  	(tag) =	ssettag $0x0;
	lr =	simm.s32 $0x1  }
0x2: {  	[smem:$0x3F9F] =	sst lr;
	_ =	strace $0xD0000000  }
0x3: {  	_ = 	snop  }
0x4: {  	_ = 	snop  }
0x5: {  	_ = 	snop  }
0x6: {  	_ = 	snop  }
0x7: {  	_ = 	snop  }
__scs_overlays_trampoline_lowered:
0x8: {  	[smem:$0x3FAE] =	sst s0  }
0x9: {  	[smem:$0x3FAF] =	sst s1  }
0xa: {  	[smem:$0x3FB0] =	sst s2  }
0xb: {  	[smem:$0x3FB1] =	sst s3  }
0xc: {  	[smem:$0x3FB2] =	sst s4  }
0xd: {  	[smem:$0x3FB3] =	sst s5  }
0xe: {  	[smem:$0x3FB4] =	sst s6  }
0xf: {  	[smem:$0x3FB5] =	sst s7  }
0x10: {  	[smem:$0x3FB6] =	sst s8  }
0x11: {  	[smem:$0x3FB7] =	sst s9;
	s0 =	simm.s32 @!p0 $0x0  }
0x12: {  	s1 =	sld [smem:$0x3F9D];
	s0 =	simm.s32 @p0 $0x1  }
0x13: {  	[smem:$0x3FB8] =	sst s0;
	s0 =	simm.s32 @!p1 $0x0  }
0x14: {  	s2 =	sld [smem:$0x3F9C];
	s0 =	simm.s32 @p1 $0x1  }
0x15: {  	[smem:$0x3FB9] =	sst s0;
	s0 =	simm.s32 @!p2 $0x0  }
0x16: {  	s3 =	sld [smem:$0x3FDB];
	s0 =	simm.s32 @p2 $0x1  }
0x17: {  	s4 =	simm.s32 $0x1BF5;
	[smem:$0x3FBB] =	sst s0  }
0x18: {  	s0 =	sld [smem:$0x3F9E];
	_ =	swait.ge [sflag:s4], $0x0  }
0x19: {  	s7 =	sld [smem:$0x3F9F]  }
0x1a: {  	s8 =	sadd.s32 $0xFFFFE003, lr  }
0x1b: {  	s9 =	sadd.s32 $0xFFFFFEF7, lr;
	s5 =	simm.s32 $0xFFFFFFFF;
	p2 =	slt.u32 s8, $0xFFFFF086  }
0x1c: {  	p1 =	slt.u32 s9, $0xF7A;
	s5 =	simm.s32 @!p2 $0x0  }
0x1d: {  	s5 =	simm.s32 @p1 $0x1;
	p0 =	seq.s32 s7, s2  }
0x1e: {  	s7 =	smul.u32 @!p0 $0xF7A, s2;
	p2 =	seq.s32 @!p0 s5, $0x0  }
0x1f: {  	s9 =	smul.u32 $0xF7A, s1;
	s8 =	simm.s32 @!p0 $0x1BF5;
	p2 =	por !p2, p0  }
0x20: {  	[sflag:s8] =	ssyncset.s32 @!p0 $0xFFFFF086;
	s6 =	sadd.s32 @!p0 s3, s7;
	s7 =	simm.s32 @!p0 $0x108  }
0x21: {  	s3 =	sadd.s32 s3, s9;
	s6 =	sadd.s32 @!p0 $0x88, s6;
	s7 =	simm.s32 @p2 $0x1082  }
0x22: {  	[simem:s7], [sflag:s8] =	dma.local @!p0 [hbm:s6], $0xF7A  }
0x23: {  	s9 =	sor.u32 $0xD0000000, s2;
	s6 =	simm.s32 $0x108;
	_ =	swait.ge @!p0 [sflag:s8], $0x0  }
0x24: {  	s3 =	sadd.s32 $0x88, s3;
	s6 =	simm.s32 @!p1 $0x1082;
	[sflag:s4] =	ssyncset.s32 $0xFFFFF086  }
0x25: {  	[simem:s6], [sflag:s4] =	dma.local [hbm:s3], $0xF7A  }
0x26: {  	[smem:$0x3F9F] =	sst s1;
	(tag) =	ssettag s2;
	_ =	strace s9  }
0x27: {  	s1 =	sld [smem:$0x3FAF]  }
0x28: {  	s2 =	sld [smem:$0x3FB0]  }
0x29: {  	s4 =	sld [smem:$0x3FB2]  }
0x2a: {  	p0 =	seq.s32 s5, $0x0;
	s5 =	sld [smem:$0x3FB3]  }
0x2b: {  	s6 =	sld [smem:$0x3FB4]  }
0x2c: {  	s7 =	sld [smem:$0x3FB5]  }
0x2d: {  	s3 =	simm.s32 $0x108;
	s8 =	sld [smem:$0x3FB6]  }
0x2e: {  	s3 =	simm.s32 @!p0 $0x1082;
	s9 =	sld [smem:$0x3FB7]  }
0x2f: {  	lr =	sadd.s32 s0, s3;
	s0 =	sld [smem:$0x3FAE]  }
0x30: {  	s3 =	sld [smem:$0x3FB1]  }
0x31: {  	[smem:$0x3FBA] =	sst s10  }
0x32: {  	s10 =	sld [smem:$0x3FB8];
	_ =	sdelay $0x3  }
0x33: {  	p0 =	seq.s32 s10, $0x1;
	s10 =	sld [smem:$0x3FBA];
	_ =	sdelay $0x3  }
0x34: {  	[smem:$0x3FBA] =	sst s10  }
0x35: {  	s10 =	sld [smem:$0x3FB9];
	_ =	sdelay $0x3  }
0x36: {  	p1 =	seq.s32 s10, $0x1;
	s10 =	sld [smem:$0x3FBA];
	_ =	sdelay $0x3  }
0x37: {  	[smem:$0x3FBA] =	sst s10  }
0x38: {  	s10 =	sld [smem:$0x3FBB]  }
0x39: {  	_ = 	snop;
	(pc) =	sbr.ind lr, $3  }
0x3a: {  	_ = 	snop  }
0x3b: {  	_ = 	snop  }
0x3c: {  	p2 =	seq.s32 s10, $0x1;
	s10 =	sld [smem:$0x3FBA]  }
0x3d: {  	_ =	shalt  }
0x3e: {  	_ =	shalt  }
0x3f: {  	_ =	shalt  }
0x40: {  	_ =	shalt  }
0x41: {  	_ =	shalt  }
0x42: {  	_ =	shalt  }
0x43: {  	_ =	shalt  }
0x44: {  	_ =	shalt  }
0x45: {  	_ =	shalt  }
0x46: {  	_ =	shalt  }
0x47: {  	_ =	shalt  }
0x48: {  	_ =	shalt  }
0x49: {  	_ =	shalt  }
0x4a: {  	_ =	shalt  }
0x4b: {  	_ =	shalt  }
0x4c: {  	_ =	shalt  }
0x4d: {  	_ =	shalt  }
0x4e: {  	_ =	shalt  }
0x4f: {  	_ =	shalt  }
0x50: {  	_ =	shalt  }
0x51: {  	_ =	shalt  }
0x52: {  	_ =	shalt  }
0x53: {  	_ =	shalt  }
0x54: {  	_ =	shalt  }
0x55: {  	_ =	shalt  }
0x56: {  	_ =	shalt  }
0x57: {  	_ =	shalt  }
0x58: {  	_ =	shalt  }
0x59: {  	_ =	shalt  }
0x5a: {  	_ =	shalt  }
0x5b: {  	_ =	shalt  }
0x5c: {  	_ =	shalt  }
0x5d: {  	_ =	shalt  }
0x5e: {  	_ =	shalt  }
0x5f: {  	_ =	shalt  }
0x60: {  	_ =	shalt  }
0x61: {  	_ =	shalt  }
0x62: {  	_ =	shalt  }
0x63: {  	_ =	shalt  }
0x64: {  	_ =	shalt  }
0x65: {  	_ =	shalt  }
0x66: {  	_ =	shalt  }
0x67: {  	_ =	shalt  }
0x68: {  	_ =	shalt  }
0x69: {  	_ =	shalt  }
0x6a: {  	_ =	shalt  }
0x6b: {  	_ =	shalt  }
0x6c: {  	_ =	shalt  }
0x6d: {  	_ =	shalt  }
0x6e: {  	_ =	shalt  }
0x6f: {  	_ =	shalt  }
0x70: {  	_ =	shalt  }
0x71: {  	_ =	shalt  }
0x72: {  	_ =	shalt  }
0x73: {  	_ =	shalt  }
0x74: {  	_ =	shalt  }
0x75: {  	_ =	shalt  }
0x76: {  	_ =	shalt  }
0x77: {  	_ =	shalt  }
0x78: {  	_ =	shalt  }
0x79: {  	_ =	shalt  }
0x7a: {  	_ =	shalt  }
0x7b: {  	_ =	shalt  }
0x7c: {  	_ =	shalt  }
0x7d: {  	_ =	shalt  }
0x7e: {  	_ =	shalt  }
0x7f: {  	_ =	shalt  }
0x80: {  	_ =	shalt  }
0x81: {  	_ =	shalt  }
0x82: {  	_ =	shalt  }
0x83: {  	_ =	shalt  }
0x84: {  	_ =	shalt  }
0x85: {  	_ =	shalt  }
0x86: {  	_ =	shalt  }
0x87: {  	_ =	shalt  }
.Lfunc_end0:
.L_simem_size_0:
called_computation.1_lowered:
.L_overlay_start_0:
0x88: {  	s2 =	sld [smem:$0x3FD9]  }
0x89: {  	s3 =	sld [smem:$0x3FFE];
	_ =	sdelay $0x1  }
0x8a: {  	s1 =	srdreg.scid  }
0x8b: {  	s0 =	sand.u32 $0x1, s1  }
0x8c: {  	s17 =	sshll.u32 s0, $0xA;
	s2 =	sadd.s32 s3, s2  }
0x8d: {  	s2 =	sadd.s32 s2, s17  }
0x8e: {  	[smem:$0x3FC6] =	sst s2  }
0x8f: {  	_ = 	snop  }
0x90: {  	s2 =	sld [smem:$0x3FD0];
	(tm) =	ssettm $0x1  }
0x91: {  	s18 =	sld [smem:$0x3FFB];
	_ =	sdelay $0x3  }
0x92: {  	_ =	strace s18  }
0x93: {  	s3 =	sld [smem:$0x3FFC];
	_ =	sdelay $0x3  }
0x94: {  	_ =	strace s3  }
0x95: {  	s3 =	sld [smem:$0x3FFD];
	_ =	sdelay $0x3  }
0x96: {  	_ =	strace s3  }
0x97: {  	_ =	strace $0x8FFFFFFF  }
0x98: {  	s19 =	sld [smem:$0x3FDB];
	_ =	sdelay $0x1  }
0x99: {  	s4 =	simm.s32 $_scs_section_size  }
0x9a: {  	s5 =	simm.s32 $_size__tile_overlayer_lowered;
	s6 =	simm.s32 $_tile_overlayer_lowered  }
0x9b: {  	s22 =	simm.s32 $0x1BFF;
	s21 =	sshll.u32 s6, $0x1;
	s3 =	sadd.s32 s4, s19  }
0x9c: {  	s7 =	simm.s32 $0x0;
	s20 =	sshll.u32 s5, $0x1;
	s5 =	sadd.s32 s21, s3  }
0x9d: {  	[timem:s7], [sflag:s22] =	dma.local [hbm:s5], s20  }
0x9e: {  	_ =	swait.ge [sflag:s22], s20  }
0x9f: {  	s4 =	ssub.s32 $0x0, s20;
	[sflag:s22] =	ssyncset.done $0x0  }
0xa0: {  	[sflag:s22] =	ssyncadd.s32 s4;
	_ =	sdelay $0x1  }
0xa1: {  	s23 =	simm.s32 $0x1B8B  }
0xa2: {  	_ =	swait.ge [sflag:s23], $0x1  }
0xa3: {  	[sflag:s23] =	ssyncset.done $0x0  }
0xa4: {  	s25 =	simm.s32 $0x1B8E;
	s24 =	sld [smem:$0x3FFE];
	[sflag:s23] =	ssyncadd.s32 $0xFFFFFFFF  }
0xa5: {  	s26 =	simm.s32 $execute0_lowered;
	[smem:$0x3FD2] =	sst s25  }
0xa6: {  	s5 =	sshll.u32 s26, $0x1;
	_ =	strace $0x80000046;
	[dreg:$0x1] =	wrdreg $0xFFFFFFFF  }
0xa7: {  	s28 =	simm.s32 $_size_execute0_lowered;
	s3 =	sadd.s32 s3, s5;
	[dreg:$0x0] =	wrdreg $0x0  }
0xa8: {  	s5 =	sshll.u32 s28, $0x1;
	[dreg:$0x2] =	wrdreg s3  }
0xa9: {  	[dreg:$0x3] =	wrdreg s5  }
0xaa: {  	[dreg:$0x4] =	wrdreg $0xC0  }
0xab: {  	_ =	task [dreg:s7], $0x5FFFF  }
0xac: {  	[dreg:$0x1] =	wrdreg $0xFFFFFFFF  }
0xad: {  	[dreg:$0x0] =	wrdreg $0x60  }
0xae: {  	[dreg:$0x2] =	wrdreg s24  }
0xaf: {  	[dreg:$0x3] =	wrdreg s2  }
0xb0: {  	[dreg:$0x4] =	wrdreg $0x9  }
0xb1: {  	_ =	task.clear_ibuf [dreg:s7], $0x5FFFF;
	_ =	strace $0x90000046  }
0xb2: {  	s29 =	simm.s32 $0x9;
	_ =	strace $0x80000048  }
0xb3: {  	_ =	swait.ge [sflag:s29], $0x1  }
0xb4: {  	[sflag:s29] =	ssyncadd.s32 $0xFFFFFFFF  }
0xb5: {  	_ =	strace $0x90000048  }
0xb6: {  	_ =	sfence  }
0xb7: {  	s30 =	sld [smem:$0x0];
	_ =	sdelay $0x2  }
0xb8: {  	s31 =	sshll.u32 s1, $0xD;
	s1 =	sshrl.u32 s1, $0x2  }
0xb9: {  	s3 =	sand.u32 $0x4000, s31;
	s1 =	sadd.s32 s1, s30  }
0xba: {  	s0 =	sor.u32 s3, s0;
	s1 =	sshll.u32 s1, $0x11  }
0xbb: {  	s0 =	sor.u32 s1, s0  }
0xbc: {  	s0 =	sadd.s32 $0x8F2B, s0  }
0xbd: {  	[sflag:s0] =	ssyncadd.remote.s32 $0x1  }
0xbe: {  	_ =	sfence.sel $0xFFFF  }
0xbf: {  	[dreg:$0x0] =	wrdreg $0xFFFFFFFF;
	(pc) =	sbr.abs _section_cstart, $3  }
0xc0: {  	[dreg:$0x1] =	wrdreg $0xFFFFFFFF  }
0xc1: {  	_ =	task.clear_ibuf [dreg:s7], $0x2FFFF;
	_ =	strace $0x9FFFFFFF  }
0xc2: {  	(tm) =	ssettm $0x7FFFFFFF  }
0xc3: {  	_ =	shalt  }
tec
execute0_lowered:
.L_overlay_start_1:
0x0: {  	(tag) =	ssettag $0x1  }
0x1: {  	s0 =	srdreg.scid;
	s1 =	rddreg [dreg:$0x0]  }
0x2: {  	s10 =	stileid.u32;
	s8 =	rddreg [dreg:$0x1]  }
0x3: {  	s11 =	simm.s32 $0x80;
	s12 =	simm.s32 $0x6400;
	s21 =	simm.s32 $0xB400  }
0x4: {  	s22 =	simm.s32 $0x15400;
	s29 =	simm.s32 $0x18400;
	s30 =	simm.s32 $0x980  }
0x5: {  	s31 =	simm.s32 $0x19400;
	s13 =	simm.s32 $0x2;
	s14 =	simm.s32 $0x3  }
0x6: {  	s15 =	simm.s32 $0x4;
	s16 =	simm.s32 $0x5;
	s17 =	simm.s32 $0x6  }
0x7: {  	s18 =	simm.s32 $0x7;
	s19 =	simm.s32 $0x8;
	s20 =	simm.s32 $0x0  }
0x8: {  	s0 =	sand.u32 $0x1, s0;
	s2 =	sshll.u32 s10, $0x1;
	s4 =	smul.u32 $0xC800, s10  }
0x9: {  	s26 =	smul.u32 $0x32000, s10;
	s10 =	simm.s32 $0x9;
	s3 =	sor.u32 s0, s2  }
0xa: {  	s2 =	simm.s32 $0x0;
	s5 =	ssub.s32 $0x2, s0;
	s6 =	smul.u32 $0x6400, s0  }
0xb: {  	s3 =	smul.u32 $0x6400, s3;
	[smem:$0x7FF] =	sst s2;
	s9 =	sshrl.u32 s5, $0x1  }
0xc: {  	s0 =	smul.u32 $0x19000, s0;
	_ =	strace $0x80000047;
	s24 =	ssub.s32 s5, s9  }
0xd: {  	s25 =	sadd.s32 s6, s4;
	s9 =	sadd.s32 s26, s8;
	s3 =	sshrl.u32 s3, $0x3  }
0xe: {  	s6 =	sshll.u32 s25, $0x2;
	s5 =	smax.u32 s24, $0x1;
	s9 =	sadd.s32 s0, s9  }
0xf: {  	s0 =	simm.s32 $0x1;
	s7 =	sadd.s32 s3, s1;
	s3 =	sadd.s32 $0x19A00, s1  }
0x10: {  	s28 =	sadd.s32 s6, s8;
	s1 =	simm.s32 $0x10400;
	s4 =	sadd.s32 $0xA00, s7  }
0x11: {  	s6 =	sadd.s32 $0x1E00, s28;
	s7 =	sadd.s32 $0x1400, s28;
	s8 =	sadd.s32 $0xA00, s28  }
.LBB2_1:
0x12: {  	[tilespmem:s2], [sflag:$0x9] =	stream.linear.gather [hbm4b:s4+s2], $0x6400, $0x38;
	[tilespmem:$0x1A400] =	vst v63  }
0x13: {  	_ =	swait.ge [sflag:s10], $0x6400  }
0x14: {  	[sflag:s10] =	ssyncset.done $0x0  }
0x15: {  	[sflag:s10] =	ssyncadd.s32 $0xFFFF9C00  }
0x16: {  	[tilespmem:s12], [sflag:$0x1] =	stream.indirect.gather [hbm4b:s3+s11], $0x20, s2, s11, $0xb8;
	[tilespmem:$0x1A400] =	vst v63  }
0x17: {  	s23 =	simm.s32 $0x7400  }
0x18: {  	[tilespmem:s23], [sflag:$0x1] =	stream.indirect.gather [hbm4b:s3+s11], $0x20, s11, s11, $0xb8;
	[tilespmem:$0x1A400] =	vst v63  }
0x19: {  	s28 =	simm.s32 $0x100;
	s24 =	simm.s32 $0x8400  }
0x1a: {  	[tilespmem:s24], [sflag:$0x1] =	stream.indirect.gather [hbm4b:s3+s11], $0x20, s28, s11, $0xb8;
	[tilespmem:$0x1A400] =	vst v63  }
0x1b: {  	s25 =	simm.s32 $0x9400;
	s24 =	simm.s32 $0x180  }
0x1c: {  	[tilespmem:s25], [sflag:$0x1] =	stream.indirect.gather [hbm4b:s3+s11], $0x20, s24, s11, $0xb8;
	[tilespmem:$0x1A400] =	vst v63  }
0x1d: {  	s26 =	simm.s32 $0x200;
	s28 =	simm.s32 $0xA400  }
0x1e: {  	[tilespmem:s28], [sflag:$0x1] =	stream.indirect.gather [hbm4b:s3+s11], $0x20, s26, s11, $0xb8;
	[tilespmem:$0x1A400] =	vst v63  }
0x1f: {  	s25 =	simm.s32 $0x280  }
0x20: {  	[tilespmem:s21], [sflag:$0x2] =	stream.indirect.gather [hbm4b:s3+s11], $0x20, s25, s11, $0xb8;
	[tilespmem:$0x1A400] =	vst v63  }
0x21: {  	s26 =	simm.s32 $0x300;
	s28 =	simm.s32 $0xC400  }
0x22: {  	[tilespmem:s28], [sflag:$0x2] =	stream.indirect.gather [hbm4b:s3+s11], $0x20, s26, s11, $0xb8;
	[tilespmem:$0x1A400] =	vst v63  }
0x23: {  	s24 =	simm.s32 $0x380;
	s25 =	simm.s32 $0xD400  }
0x24: {  	[tilespmem:s25], [sflag:$0x2] =	stream.indirect.gather [hbm4b:s3+s11], $0x20, s24, s11, $0xb8;
	[tilespmem:$0x1A400] =	vst v63  }
0x25: {  	s26 =	simm.s32 $0x400;
	s28 =	simm.s32 $0xE400  }
0x26: {  	[tilespmem:s28], [sflag:$0x2] =	stream.indirect.gather [hbm4b:s3+s11], $0x20, s26, s11, $0xb8;
	[tilespmem:$0x1A400] =	vst v63  }
0x27: {  	s25 =	simm.s32 $0x480;
	s26 =	simm.s32 $0xF400  }
0x28: {  	[tilespmem:s26], [sflag:$0x2] =	stream.indirect.gather [hbm4b:s3+s11], $0x20, s25, s11, $0xb8;
	[tilespmem:$0x1A400] =	vst v63  }
0x29: {  	s28 =	simm.s32 $0x500  }
0x2a: {  	[tilespmem:s1], [sflag:$0x3] =	stream.indirect.gather [hbm4b:s3+s11], $0x20, s28, s11, $0xb8;
	[tilespmem:$0x1A400] =	vst v63  }
0x2b: {  	s24 =	simm.s32 $0x580;
	s25 =	simm.s32 $0x11400  }
0x2c: {  	[tilespmem:s25], [sflag:$0x3] =	stream.indirect.gather [hbm4b:s3+s11], $0x20, s24, s11, $0xb8;
	[tilespmem:$0x1A400] =	vst v63  }
0x2d: {  	s26 =	simm.s32 $0x600;
	s28 =	simm.s32 $0x12400  }
0x2e: {  	[tilespmem:s28], [sflag:$0x3] =	stream.indirect.gather [hbm4b:s3+s11], $0x20, s26, s11, $0xb8;
	[tilespmem:$0x1A400] =	vst v63  }
0x2f: {  	s24 =	simm.s32 $0x680;
	s25 =	simm.s32 $0x13400  }
0x30: {  	[tilespmem:s25], [sflag:$0x3] =	stream.indirect.gather [hbm4b:s3+s11], $0x20, s24, s11, $0xb8;
	[tilespmem:$0x1A400] =	vst v63  }
0x31: {  	s26 =	simm.s32 $0x700;
	s28 =	simm.s32 $0x14400  }
0x32: {  	[tilespmem:s28], [sflag:$0x3] =	stream.indirect.gather [hbm4b:s3+s11], $0x20, s26, s11, $0xb8;
	[tilespmem:$0x1A400] =	vst v63  }
0x33: {  	s25 =	simm.s32 $0x780  }
0x34: {  	[tilespmem:s22], [sflag:$0x4] =	stream.indirect.gather [hbm4b:s3+s11], $0x20, s25, s11, $0xb8;
	[tilespmem:$0x1A400] =	vst v63  }
0x35: {  	s26 =	simm.s32 $0x800;
	s28 =	simm.s32 $0x16400  }
0x36: {  	[tilespmem:s28], [sflag:$0x4] =	stream.indirect.gather [hbm4b:s3+s11], $0x20, s26, s11, $0xb8;
	[tilespmem:$0x1A400] =	vst v63  }
0x37: {  	s25 =	simm.s32 $0x880;
	s26 =	simm.s32 $0x17400  }
0x38: {  	[tilespmem:s26], [sflag:$0x4] =	stream.indirect.gather [hbm4b:s3+s11], $0x20, s25, s11, $0xb8;
	[tilespmem:$0x1A400] =	vst v63  }
0x39: {  	s28 =	simm.s32 $0x900  }
0x3a: {  	[tilespmem:s29], [sflag:$0x4] =	stream.indirect.gather [hbm4b:s3+s11], $0x20, s28, s11, $0xb8;
	[tilespmem:$0x1A400] =	vst v63  }
0x3b: {  	s23 =	simm.s32 $0x0  }
0x3c: {  	[tilespmem:s31], [sflag:$0x4] =	stream.indirect.gather [hbm4b:s3+s11], $0x20, s30, s11, $0xb8;
	[tilespmem:$0x1A400] =	vst v63  }
.LBB2_2:
0x3d: {  	_ =	swait.ge [sflag:s0], $0x5000  }
0x3e: {  	[sflag:s0] =	ssyncset.done $0x0  }
0x3f: {  	s24 =	sadd.s32 s23, s9;
	[sflag:s0] =	ssyncadd.s32 $0xFFFFB000  }
0x40: {  	[hbm4b:s24+s2] =	stream.linear.scatter [tilespmem:s12], [sflag:$0x5], $0x5000, $0x38;
	[tilespmem:$0x1A400] =	vst v63  }
0x41: {  	_ =	swait.ge [sflag:s13], $0x5000  }
0x42: {  	[sflag:s13] =	ssyncset.done $0x0  }
0x43: {  	s25 =	sadd.s32 s23, s8;
	[sflag:s13] =	ssyncadd.s32 $0xFFFFB000  }
0x44: {  	[hbm4b:s25+s2] =	stream.linear.scatter [tilespmem:s21], [sflag:$0x6], $0x5000, $0x38;
	[tilespmem:$0x1A400] =	vst v63  }
0x45: {  	_ =	swait.ge [sflag:s14], $0x5000  }
0x46: {  	[sflag:s14] =	ssyncset.done $0x0  }
0x47: {  	s26 =	sadd.s32 s23, s7;
	[sflag:s14] =	ssyncadd.s32 $0xFFFFB000  }
0x48: {  	[hbm4b:s26+s2] =	stream.linear.scatter [tilespmem:s1], [sflag:$0x7], $0x5000, $0x38;
	[tilespmem:$0x1A400] =	vst v63  }
0x49: {  	_ =	swait.ge [sflag:s15], $0x5000  }
0x4a: {  	p0 =	seq.s32 s23, $0x16800;
	[sflag:s15] =	ssyncset.done $0x0  }
0x4b: {  	s28 =	sadd.s32 s23, s6;
	s24 =	simm.s32 @!p0 $0x5;
	[sflag:s15] =	ssyncadd.s32 $0xFFFFB000  }
0x4c: {  	[hbm4b:s28+s2] =	stream.linear.scatter [tilespmem:s22], [sflag:$0x8], $0x5000, $0x38;
	[tilespmem:$0x1A400] =	vst v63  }
0x4d: {  	_ =	swait.ge @!p0 [sflag:s24], $0x5000  }
0x4e: {  	[sflag:s24] =	ssyncset.done @!p0 $0x0  }
0x4f: {  	[sflag:s24] =	ssyncadd.s32 @!p0 $0xFFFFB000;
	s24 =	sshra.s32 @!p0 s23, $0x2  }
0x50: {  	s25 =	simm.s32 @!p0 $0x80;
	s28 =	simm.s32 @!p0 $0x6400;
	s26 =	sadd.s32 @!p0 $0xA00, s24  }
0x51: {  	[tilespmem:s28], [sflag:$0x1] =	stream.indirect.gather @!p0 [hbm4b:s3+s25], $0x20, s26, s25, $0xb8;
	[tilespmem:$0x1A400] =	vst v63  }
0x52: {  	s26 =	sadd.s32 @!p0 $0xA80, s24;
	s28 =	simm.s32 @!p0 $0x7400  }
0x53: {  	[tilespmem:s28], [sflag:$0x1] =	stream.indirect.gather @!p0 [hbm4b:s3+s25], $0x20, s26, s25, $0xb8;
	[tilespmem:$0x1A400] =	vst v63  }
0x54: {  	s26 =	sadd.s32 @!p0 $0xB00, s24;
	s28 =	simm.s32 @!p0 $0x8400  }
0x55: {  	[tilespmem:s28], [sflag:$0x1] =	stream.indirect.gather @!p0 [hbm4b:s3+s25], $0x20, s26, s25, $0xb8;
	[tilespmem:$0x1A400] =	vst v63  }
0x56: {  	s26 =	sadd.s32 @!p0 $0xB80, s24;
	s28 =	simm.s32 @!p0 $0x9400  }
0x57: {  	[tilespmem:s28], [sflag:$0x1] =	stream.indirect.gather @!p0 [hbm4b:s3+s25], $0x20, s26, s25, $0xb8;
	[tilespmem:$0x1A400] =	vst v63  }
0x58: {  	s26 =	sadd.s32 @!p0 $0xC00, s24;
	s28 =	simm.s32 @!p0 $0xA400  }
0x59: {  	[tilespmem:s28], [sflag:$0x1] =	stream.indirect.gather @!p0 [hbm4b:s3+s25], $0x20, s26, s25, $0xb8;
	[tilespmem:$0x1A400] =	vst v63  }
0x5a: {  	s26 =	simm.s32 @!p0 $0x6  }
0x5b: {  	_ =	swait.ge @!p0 [sflag:s26], $0x5000  }
0x5c: {  	[sflag:s26] =	ssyncset.done @!p0 $0x0  }
0x5d: {  	s28 =	simm.s32 @!p0 $0xB400;
	[sflag:s26] =	ssyncadd.s32 @!p0 $0xFFFFB000;
	s26 =	sadd.s32 @!p0 $0xC80, s24  }
0x5e: {  	[tilespmem:s28], [sflag:$0x2] =	stream.indirect.gather @!p0 [hbm4b:s3+s25], $0x20, s26, s25, $0xb8;
	[tilespmem:$0x1A400] =	vst v63  }
0x5f: {  	s26 =	sadd.s32 @!p0 $0xD00, s24;
	s28 =	simm.s32 @!p0 $0xC400  }
0x60: {  	[tilespmem:s28], [sflag:$0x2] =	stream.indirect.gather @!p0 [hbm4b:s3+s25], $0x20, s26, s25, $0xb8;
	[tilespmem:$0x1A400] =	vst v63  }
0x61: {  	s26 =	sadd.s32 @!p0 $0xD80, s24;
	s28 =	simm.s32 @!p0 $0xD400  }
0x62: {  	[tilespmem:s28], [sflag:$0x2] =	stream.indirect.gather @!p0 [hbm4b:s3+s25], $0x20, s26, s25, $0xb8;
	[tilespmem:$0x1A400] =	vst v63  }
0x63: {  	s26 =	sadd.s32 @!p0 $0xE00, s24;
	s28 =	simm.s32 @!p0 $0xE400  }
0x64: {  	[tilespmem:s28], [sflag:$0x2] =	stream.indirect.gather @!p0 [hbm4b:s3+s25], $0x20, s26, s25, $0xb8;
	[tilespmem:$0x1A400] =	vst v63  }
0x65: {  	s26 =	sadd.s32 @!p0 $0xE80, s24;
	s28 =	simm.s32 @!p0 $0xF400  }
0x66: {  	[tilespmem:s28], [sflag:$0x2] =	stream.indirect.gather @!p0 [hbm4b:s3+s25], $0x20, s26, s25, $0xb8;
	[tilespmem:$0x1A400] =	vst v63  }
0x67: {  	s26 =	simm.s32 @!p0 $0x7  }
0x68: {  	_ =	swait.ge @!p0 [sflag:s26], $0x5000  }
0x69: {  	[sflag:s26] =	ssyncset.done @!p0 $0x0  }
0x6a: {  	s28 =	simm.s32 @!p0 $0x10400;
	[sflag:s26] =	ssyncadd.s32 @!p0 $0xFFFFB000;
	s26 =	sadd.s32 @!p0 $0xF00, s24  }
0x6b: {  	[tilespmem:s28], [sflag:$0x3] =	stream.indirect.gather @!p0 [hbm4b:s3+s25], $0x20, s26, s25, $0xb8;
	[tilespmem:$0x1A400] =	vst v63  }
0x6c: {  	s26 =	sadd.s32 @!p0 $0xF80, s24;
	s28 =	simm.s32 @!p0 $0x11400  }
0x6d: {  	[tilespmem:s28], [sflag:$0x3] =	stream.indirect.gather @!p0 [hbm4b:s3+s25], $0x20, s26, s25, $0xb8;
	[tilespmem:$0x1A400] =	vst v63  }
0x6e: {  	s26 =	sadd.s32 @!p0 $0x1000, s24;
	s28 =	simm.s32 @!p0 $0x12400  }
0x6f: {  	[tilespmem:s28], [sflag:$0x3] =	stream.indirect.gather @!p0 [hbm4b:s3+s25], $0x20, s26, s25, $0xb8;
	[tilespmem:$0x1A400] =	vst v63  }
0x70: {  	s26 =	sadd.s32 @!p0 $0x1080, s24;
	s28 =	simm.s32 @!p0 $0x13400  }
0x71: {  	[tilespmem:s28], [sflag:$0x3] =	stream.indirect.gather @!p0 [hbm4b:s3+s25], $0x20, s26, s25, $0xb8;
	[tilespmem:$0x1A400] =	vst v63  }
0x72: {  	s26 =	sadd.s32 @!p0 $0x1100, s24;
	s28 =	simm.s32 @!p0 $0x14400  }
0x73: {  	[tilespmem:s28], [sflag:$0x3] =	stream.indirect.gather @!p0 [hbm4b:s3+s25], $0x20, s26, s25, $0xb8;
	[tilespmem:$0x1A400] =	vst v63  }
0x74: {  	s26 =	simm.s32 @!p0 $0x8  }
0x75: {  	_ =	swait.ge @!p0 [sflag:s26], $0x5000  }
0x76: {  	[sflag:s26] =	ssyncset.done @!p0 $0x0  }
0x77: {  	s28 =	simm.s32 @!p0 $0x15400;
	[sflag:s26] =	ssyncadd.s32 @!p0 $0xFFFFB000;
	s26 =	sadd.s32 @!p0 $0x1180, s24  }
0x78: {  	[tilespmem:s28], [sflag:$0x4] =	stream.indirect.gather @!p0 [hbm4b:s3+s25], $0x20, s26, s25, $0xb8;
	[tilespmem:$0x1A400] =	vst v63  }
0x79: {  	s26 =	sadd.s32 @!p0 $0x1200, s24;
	s28 =	simm.s32 @!p0 $0x16400  }
0x7a: {  	[tilespmem:s28], [sflag:$0x4] =	stream.indirect.gather @!p0 [hbm4b:s3+s25], $0x20, s26, s25, $0xb8;
	[tilespmem:$0x1A400] =	vst v63  }
0x7b: {  	s26 =	sadd.s32 @!p0 $0x1280, s24;
	s28 =	simm.s32 @!p0 $0x17400  }
0x7c: {  	[tilespmem:s28], [sflag:$0x4] =	stream.indirect.gather @!p0 [hbm4b:s3+s25], $0x20, s26, s25, $0xb8;
	[tilespmem:$0x1A400] =	vst v63  }
0x7d: {  	s23 =	sadd.s32 @!p0 $0x2800, s23;
	s26 =	sadd.s32 @!p0 $0x1300, s24;
	s28 =	simm.s32 @!p0 $0x18400  }
0x7e: {  	[tilespmem:s28], [sflag:$0x4] =	stream.indirect.gather @!p0 [hbm4b:s3+s25], $0x20, s26, s25, $0xb8;
	[tilespmem:$0x1A400] =	vst v63  }
0x7f: {  	p1 =	sne.s32 @!p0 s23, $0x19000;
	s24 =	sadd.s32 @!p0 $0x1380, s24;
	s26 =	simm.s32 @!p0 $0x19400  }
0x80: {  	[tilespmem:s26], [sflag:$0x4] =	stream.indirect.gather @!p0 [hbm4b:s3+s25], $0x20, s24, s25, $0xb8;
	[tilespmem:$0x1A400] =	vst v63  }
0x81: {  	p0 =	por p0, !p1  }
.Ltmp0:
0x82: {  	_ = 	snop;
	(pc) =	sbr.rel @!p0 .LBB2_2-.Ltmp0, $1  }
0x83: {  	_ =	sdelay $0x3  }
0x84: {  	_ =	swait.ge [sflag:s16], $0x5000  }
0x85: {  	[sflag:s16] =	ssyncset.done $0x0  }
0x86: {  	[sflag:s16] =	ssyncadd.s32 $0xFFFFB000  }
0x87: {  	_ =	swait.ge [sflag:s17], $0x5000  }
0x88: {  	[sflag:s17] =	ssyncset.done $0x0  }
0x89: {  	s20 =	sadd.s32 $0x1, s20;
	[sflag:s17] =	ssyncadd.s32 $0xFFFFB000  }
0x8a: {  	p0 =	sne.s32 s20, s5;
	_ =	swait.ge [sflag:s18], $0x5000  }
.Ltmp1:
0x8b: {  	[sflag:s18] =	ssyncset.done $0x0;
	(pc) =	sbr.rel @p0 .LBB2_1-.Ltmp1, $4  }
0x8c: {  	[sflag:s18] =	ssyncadd.s32 $0xFFFFB000  }
0x8d: {  	_ =	swait.ge [sflag:s19], $0x5000  }
0x8e: {  	[sflag:s19] =	ssyncset.done $0x0  }
0x8f: {  	[sflag:s19] =	ssyncadd.s32 $0xFFFFB000  }
0x90: {  	_ =	sfence.sel $0x180000  }
0x91: {  	[bflag:$0x0] =	sbarrier.arrive $0xFFFF  }
0x92: {  	_ =	strace $0x90000047  }
0x93: {  	s0 =	stileid.u32;
	[bflag:$0x2] =	sbarrier.arrive $0xFFFF  }
0x94: {  	p0 =	sne.s32 s0, $0x0;
	s0 =	rddreg [dreg:$0x2]  }
0x95: {  	s0 =	sadd.s32 @!p0 $0x100000, s0  }
0x96: {  	[sflag:s0] =	ssyncadd.tile.s32 @!p0 $0x1;
	_ =	shalt  }
.Lfunc_end2:
_tile_overlayer_lowered:
.L_overlay_start_2:
0x97: {  	(tag) =	ssettag $0x2  }
0x98: {  	s0 =	rddreg [dreg:$0x0];
	s2 =	stileid.u32  }
0x99: {  	s1 =	rddreg [dreg:$0x1];
	p0 =	sne.s32 s2, $0x0  }
0x9a: {  	s3 =	rddreg [dreg:$0x2];
	[bflag:$0x3] =	sbarrier.arrive $0xFFFF;
	s2 =	simm.s32 @!p0 $0x1C09  }
0x9b: {  	[timem:s3], [sflag:s2] =	dma.local @!p0 [hbm:s0], s1  }
0x9c: {  	s0 =	simm.s32 @!p0 $0x9  }
0x9d: {  	_ =	swait.ge @!p0 [sflag:s0], s1  }
0x9e: {  	s1 =	ssub.s32 @!p0 $0x0, s1;
	[sflag:s0] =	ssyncset.done @!p0 $0x0  }
0x9f: {  	[sflag:s0] =	ssyncadd.s32 @!p0 s1  }
0xa0: {  	[bflag:$0x3] =	sbarrier.arrive $0xFFFF  }
0xa1: {  	_ =	shalt  }

// kernel: sparse-core-data-format-call.cloned.1.call-start
scs
called_computation_lowered:
.L_overlay_start_0:
0x0: {  	s2 =	sld [smem:$0x3FD9]  }
0x1: {  	s3 =	sld [smem:$0x3FFE];
	_ =	sdelay $0x1  }
0x2: {  	s1 =	srdreg.scid  }
0x3: {  	s0 =	sand.u32 $0x1, s1  }
0x4: {  	s18 =	sshll.u32 s0, $0xA;
	s2 =	sadd.s32 s3, s2  }
0x5: {  	s2 =	sadd.s32 s2, s18  }
0x6: {  	[smem:$0x3FC6] =	sst s2  }
0x7: {  	_ = 	snop  }
0x8: {  	s2 =	sld [smem:$0x3FD0];
	(tm) =	ssettm $0x1  }
0x9: {  	s19 =	sld [smem:$0x3FFB];
	_ =	sdelay $0x3  }
0xa: {  	_ =	strace s19  }
0xb: {  	s3 =	sld [smem:$0x3FFC];
	_ =	sdelay $0x3  }
0xc: {  	_ =	strace s3  }
0xd: {  	s3 =	sld [smem:$0x3FFD];
	_ =	sdelay $0x3  }
0xe: {  	_ =	strace s3  }
0xf: {  	_ =	strace $0x8FFFFFFF  }
0x10: {  	s20 =	sld [smem:$0x3FDB];
	_ =	sdelay $0x1  }
0x11: {  	s4 =	simm.s32 $_scs_section_size  }
0x12: {  	s5 =	simm.s32 $_size__tile_overlayer_lowered;
	s6 =	simm.s32 $_tile_overlayer_lowered  }
0x13: {  	s23 =	simm.s32 $0x1BFF;
	s22 =	sshll.u32 s6, $0x1;
	s3 =	sadd.s32 s4, s20  }
0x14: {  	s7 =	simm.s32 $0x0;
	s21 =	sshll.u32 s5, $0x1;
	s5 =	sadd.s32 s22, s3  }
0x15: {  	[timem:s7], [sflag:s23] =	dma.local [hbm:s5], s21  }
0x16: {  	_ =	swait.ge [sflag:s23], s21  }
0x17: {  	s4 =	ssub.s32 $0x0, s21;
	[sflag:s23] =	ssyncset.done $0x0  }
0x18: {  	[sflag:s23] =	ssyncadd.s32 s4;
	_ =	sdelay $0x1  }
0x19: {  	s24 =	simm.s32 $0x1B8B  }
0x1a: {  	_ =	swait.ge [sflag:s24], $0x1  }
0x1b: {  	[sflag:s24] =	ssyncset.done $0x0  }
0x1c: {  	s26 =	simm.s32 $0x1B8E;
	s25 =	sld [smem:$0x3FFE];
	[sflag:s24] =	ssyncadd.s32 $0xFFFFFFFF  }
0x1d: {  	s27 =	simm.s32 $execute0_lowered;
	[smem:$0x3FD2] =	sst s26  }
0x1e: {  	s5 =	sshll.u32 s27, $0x1;
	_ =	strace $0x80000049;
	[dreg:$0x1] =	wrdreg $0xFFFFFFFF  }
0x1f: {  	s28 =	simm.s32 $_size_execute0_lowered;
	s3 =	sadd.s32 s3, s5;
	[dreg:$0x0] =	wrdreg $0x0  }
0x20: {  	s5 =	sshll.u32 s28, $0x1;
	[dreg:$0x2] =	wrdreg s3  }
0x21: {  	[dreg:$0x3] =	wrdreg s5  }
0x22: {  	[dreg:$0x4] =	wrdreg $0xC0  }
0x23: {  	_ =	task [dreg:s7], $0x5FFFF  }
0x24: {  	[dreg:$0x1] =	wrdreg $0xFFFFFFFF  }
0x25: {  	[dreg:$0x0] =	wrdreg $0x60  }
0x26: {  	[dreg:$0x2] =	wrdreg s25  }
0x27: {  	[dreg:$0x3] =	wrdreg s2  }
0x28: {  	[dreg:$0x4] =	wrdreg $0x9  }
0x29: {  	_ =	task.clear_ibuf [dreg:s7], $0x5FFFF;
	_ =	strace $0x90000049  }
0x2a: {  	s29 =	simm.s32 $0x9;
	_ =	strace $0x8000004B  }
0x2b: {  	_ =	swait.ge [sflag:s29], $0x1  }
0x2c: {  	[sflag:s29] =	ssyncadd.s32 $0xFFFFFFFF  }
0x2d: {  	_ =	strace $0x9000004B  }
0x2e: {  	_ =	sfence  }
0x2f: {  	s30 =	sld [smem:$0x0];
	_ =	sdelay $0x2  }
0x30: {  	s31 =	sshll.u32 s1, $0xD;
	s1 =	sshrl.u32 s1, $0x2  }
0x31: {  	s3 =	sand.u32 $0x4000, s31;
	s1 =	sadd.s32 s1, s30  }
0x32: {  	s0 =	sor.u32 s3, s0;
	s1 =	sshll.u32 s1, $0x11  }
0x33: {  	s0 =	sor.u32 s1, s0  }
0x34: {  	s0 =	sadd.s32 $0x8F2B, s0  }
0x35: {  	[sflag:s0] =	ssyncadd.remote.s32 $0x1  }
0x36: {  	_ =	sfence.sel $0xFFFF  }
0x37: {  	[dreg:$0x0] =	wrdreg $0xFFFFFFFF;
	(pc) =	sbr.abs _section_cstart, $3  }
0x38: {  	[dreg:$0x1] =	wrdreg $0xFFFFFFFF  }
0x39: {  	_ =	task.clear_ibuf [dreg:s7], $0x2FFFF;
	_ =	strace $0x9FFFFFFF  }
0x3a: {  	(tm) =	ssettm $0x7FFFFFFF  }
0x3b: {  	_ =	shalt  }
tec
execute0_lowered:
.L_overlay_start_1:
0x0: {  	(tag) =	ssettag $0x1  }
0x1: {  	s0 =	srdreg.scid  }
0x2: {  	s1 =	sshll.u32 s0, $0x4  }
0x3: {  	s0 =	stileid.u32;
	s1 =	sand.u32 $0x10, s1  }
0x4: {  	s1 =	sor.u32 s0, s1  }
0x5: {  	s6 =	rddreg [dreg:$0x0];
	s4 =	simm.s32 $0x1;
	s2 =	sshll.u32 s1, $0x7  }
0x6: {  	s7 =	simm.s32 $0x2;
	s12 =	simm.s32 $0x0;
	s1 =	ssub.s32 $0x1000, s2  }
0x7: {  	s8 =	simm.s32 $0x8000;
	s13 =	simm.s32 $0x0;
	s3 =	sand.u32 $0xF80, s1  }
0x8: {  	s9 =	simm.s32 $0x0;
	s5 =	sshrl.u32 s1, $0xC;
	p0 =	sne.s32 s3, $0x0  }
.Ltmp0:
0x9: {  	s1 =	rddreg [dreg:$0x2];
	s4 =	simm.s32 @!p0 $0x0;
	(pc) =	sbr.rel .LBB1_1-.Ltmp0, $4  }
0xa: {  	s11 =	simm.s32 $0x0;
	s3 =	rddreg [dreg:$0x1];
	s5 =	sadd.s32 s4, s5  }
0xb: {  	_ =	strace $0x8000004A;
	s4 =	simm.s32 $0x1;
	s5 =	smul.u32 $0xC8, s5  }
0xc: {  	s6 =	sadd.s32 $0xA00, s6;
	s10 =	smov.u32 s2;
	[sflag:s4] =	ssyncpa.u1 $0x0  }
0xd: {  	p0 =	por $0x0, $0x0;
	[sflag:s7] =	ssyncpa.u1 $0x0;
	s7 =	sor.u32 $0x1, s5  }
.LBB1_4:
0xe: {  	s16 =	sshll.u32 s13, $0x3;
	s17 =	sand.u32 $0x78, s13  }
0xf: {  	s30 =	sand.u32 $0x3E00, s13;
	s12 =	sshll.u32 s12, $0xE;
	s16 =	sand.u32 $0xC00, s16  }
0x10: {  	s31 =	sand.u32 $0x7, s13;
	s16 =	sor.u32 s17, s16;
	s17 =	sadd.s32 s3, s30  }
0x11: {  	s13 =	sshll.u32 s31, $0x12;
	s16 =	sshrl.u32 s16, $0x3;
	s12 =	sadd.s32 s12, s17  }
0x12: {  	[tilespmem:s15+$0x0 ss:$0x81] =	vst.msk $0xffff, v0;
	s13 =	sor.u32 $0x400, s13;
	s12 =	sadd.s32 s16, s12  }
0x13: {  	[hbm4b:s12+s13] =	stream.strided.scatter [tilespmem:s14], [sflag:$0x2], $0x1000, s8, s13, $0x20;
	[tilespmem:$0x4040] =	vst v63  }
.LBB1_5:
0x14: {  	s14 =	sadd.s32 $0x1, s9  }
0x15: {  	s12 =	sadd.s32 $0x1000, s10;
	s16 =	smov.u32 s10;
	p2 =	sgt.s32 s14, $0xC7  }
0x16: {  	s16 =	smov.u32 @p2 s12  }
0x17: {  	s14 =	simm.s32 @p2 $0x0;
	p2 =	sgt.s32 s16, $0xFFF  }
0x18: {  	s16 =	smov.u32 @p2 s2;
	p2 =	sne.s32 s11, s7  }
.Ltmp1:
0x19: {  	p1 =	slt.u32 s11, $0x2;
	(pc) =	sbr.rel @!p2 .LBB1_6-.Ltmp1, $4  }
0x1a: {  	s15 =	simm.s32 @!p1 $0x2  }
0x1b: {  	s13 =	smov.u32 s10;
	p0 =	por !p0, !p0;
	_ =	swait.ge @!p1 [sflag:s15], $0x1000  }
0x1c: {  	s12 =	smov.u32 s9;
	[sflag:s15] =	ssyncset.done @!p1 $0x0;
	s9 =	smov.u32 s14  }
0x1d: {  	s11 =	sadd.s32 $0x1, s11;
	[sflag:s15] =	ssyncadd.s32 @!p1 $0xFFFFF000;
	s10 =	smov.u32 s16  }
.LBB1_1:
0x1e: {  	p1 =	sge.u32 s11, s5  }
0x1f: {  	s14 =	sand.u32 @!p1 $0x1FFFFFF, s9  }
0x20: {  	s15 =	smulhi.u32 @!p1 $0x147AE15, s14;
	_ =	sdelay $0x1  }
0x21: {  	s15 =	smul.u32 @!p1 $0xC8, s15  }
0x22: {  	s16 =	sxor.u32 @!p1 $0xFFFFFFFF, s11;
	s17 =	smul.u32 @!p1 $0xC80, s10  }
0x23: {  	s31 =	sadd.s32 $0xFFFFFFFF, s11;
	s16 =	sshll.u32 @!p1 s16, $0xC;
	s14 =	ssub.s32 @!p1 s14, s15  }
0x24: {  	s15 =	sand.u32 @!p1 $0x1000, s16;
	s16 =	sadd.s32 @!p1 s6, s17;
	s14 =	sshll.u32 @!p1 s14, $0x4  }
0x25: {  	s17 =	simm.s32 @!p1 $0x6400;
	s14 =	sadd.s32 @!p1 s14, s16;
	s16 =	simm.s32 @!p1 $0x20  }
0x26: {  	[tilespmem:s15], [sflag:$0x1] =	stream.strided.gather @!p1 [hbm4b:s14+s16], $0x1000, s17, s16, $0x38;
	[tilespmem:$0x4040] =	vst v63  }
0x27: {  	p1 =	sge.u32 s31, s5  }
.Ltmp2:
0x28: {  	_ = 	snop;
	(pc) =	sbr.rel @p1 .LBB1_5-.Ltmp2, $1  }
0x29: {  	_ =	sdelay $0x3  }
0x2a: {  	s14 =	simm.s32 $0x1  }
0x2b: {  	_ =	swait.ge [sflag:s4], $0x1000;
	s14 =	simm.s32 @!p0 $0x0  }
0x2c: {  	[sflag:s4] =	ssyncset.done $0x0;
	s15 =	sshll.u32 s14, $0xC  }
0x2d: {  	[sflag:s4] =	ssyncadd.s32 $0xFFFFF000;
	s18 =	sor.u32 $0x10, s15  }
0x2e: {  	s14 =	smul.u32 $0x4080, s14;
	v1 =	vld [tilespmem:s18+$0x0]  }
0x2f: {  	s30 =	sand.u32 $0x1, s11;
	v0 =	vld [tilespmem:s18+$0xFFFFFFF0]  }
0x30: {  	s15 =	smul.u32 $0x4080, s30;
	s14 =	sshrl.u32 s14, $0x2  }
0x31: {  	s16 =	sor.u32 $0x2000, s14  }
0x32: {  	s31 =	sshrl.u32 s15, $0x2;
	s15 =	sadd.s32 $0x0, s16  }
0x33: {  	s17 =	simm.s32 $0x4;
	s18 =	sadd.s32 $0x20, s18;
	s14 =	sor.u32 $0x2000, s31;
	[tilespmem:s15+$0x810 ss:$0x81] =	vst.msk $0xffff, v1  }
.LBB1_3:
0x34: {  	v1 =	vld [tilespmem:s18+$0x0];
	p1 =	sne.s32 s17, $0x1FC;
	[tilespmem:s15+$0x0 ss:$0x81] =	vst.msk $0xffff, v0;
	s15 =	smov.u32 s17;
	s17 =	sadd.s32 $0x4, s17  }
.Ltmp3:
0x35: {  	v0 =	vld [tilespmem:s18+$0xFFFFFFF0];
	(pc) =	sbr.rel @p1 .LBB1_3-.Ltmp3, $4  }
0x36: {  	_ = 	snop  }
0x37: {  	s15 =	sshra.s32 s15, $0x2  }
0x38: {  	s15 =	sadd.s32 s15, s16  }
0x39: {  	s18 =	sadd.s32 $0x20, s18;
	[tilespmem:s15+$0x810 ss:$0x81] =	vst.msk $0xffff, v1  }
.Ltmp4:
0x3a: {  	_ = 	snop;
	(pc) =	sbr.rel .LBB1_4-.Ltmp4, $1  }
0x3b: {  	_ =	sdelay $0x3  }
.LBB1_6:
0x3c: {  	_ =	sfence.sel $0x180000  }
0x3d: {  	s2 =	simm.s32 $0x1;
	[bflag:$0x0] =	sbarrier.arrive $0xFFFF  }
0x3e: {  	s31 =	simm.s32 $0x2;
	[sflag:s2] =	ssyncpa.u1 $0x1  }
0x3f: {  	[sflag:s31] =	ssyncpa.u1 $0x1  }
0x40: {  	p0 =	sne.s32 s0, $0x0;
	_ =	strace $0x9000004A  }
0x41: {  	s0 =	sadd.s32 @!p0 $0x100000, s1;
	[bflag:$0x2] =	sbarrier.arrive $0xFFFF  }
0x42: {  	[sflag:s0] =	ssyncadd.tile.s32 @!p0 $0x1;
	_ =	shalt  }
.Lfunc_end1:
_tile_overlayer_lowered:
.L_overlay_start_2:
0x43: {  	(tag) =	ssettag $0x2  }
0x44: {  	s0 =	rddreg [dreg:$0x0];
	s2 =	stileid.u32  }
0x45: {  	s1 =	rddreg [dreg:$0x1];
	p0 =	sne.s32 s2, $0x0  }
0x46: {  	s3 =	rddreg [dreg:$0x2];
	[bflag:$0x3] =	sbarrier.arrive $0xFFFF;
	s2 =	simm.s32 @!p0 $0x1C01  }
0x47: {  	[timem:s3], [sflag:s2] =	dma.local @!p0 [hbm:s0], s1  }
0x48: {  	s0 =	simm.s32 @!p0 $0x1  }
0x49: {  	_ =	swait.ge @!p0 [sflag:s0], s1  }
0x4a: {  	s1 =	ssub.s32 @!p0 $0x0, s1;
	[sflag:s0] =	ssyncset.done @!p0 $0x0  }
0x4b: {  	[sflag:s0] =	ssyncadd.s32 @!p0 s1  }
0x4c: {  	[bflag:$0x3] =	sbarrier.arrive $0xFFFF  }
0x4d: {  	_ =	shalt  }

</sc_bundles>
